<compile_context>
chip_gen: v7x
topology: tpu7x:2x2x1
jax: 0.10.2.dev20260603
libtpu: 0.0.44.dev20260713+nightly
codegen_flags: <defaults>
</compile_context>

<pallas_src>
import functools

import jax
import jax.numpy as jnp
from jax import lax
from jax.experimental import pallas as pl
from jax.experimental.pallas import tpu as pltpu
from jax.experimental.pallas import tpu_sc as plsc

N_NODES = 10000
N_EDGES = 160000
H = 128

NC = 2
NS = 16
NW = NC * NS
CH = 128
NCH = N_EDGES // CH
NCH_PAD = 1280
NE_PAD = NCH_PAD * CH

G_MAX = NCH_PAD // NW
G_NBUF = 3

S_MAX = NCH_PAD // NC // NS
ZR = 624


def _ln(x, g, b):
    mu = jnp.mean(x, axis=-1, keepdims=True)
    var = jnp.mean((x - mu) ** 2, axis=-1, keepdims=True)
    return (x - mu) * jax.lax.rsqrt(var + 1e-5) * g + b


def _silu(x):
    return x * jax.nn.sigmoid(x)


def _bdot(a, b):
    return jnp.dot(a.astype(jnp.bfloat16), b.astype(jnp.bfloat16),
                   preferred_element_type=jnp.float32)


def _node_pre_body(nf, w0, b0, w1, b1, g, beta, w1a, w1b,
                   ne_out, p_out, q_out):
    x = _silu(jnp.dot(nf[...], w0[...], preferred_element_type=jnp.float32) + b0[...])
    x = jnp.dot(x, w1[...], preferred_element_type=jnp.float32) + b1[...]
    ne = _ln(x, g[...], beta[...])
    ne_out[...] = ne
    p_out[...] = jnp.dot(ne, w1a[...], preferred_element_type=jnp.float32)
    q_out[...] = jnp.dot(ne, w1b[...], preferred_element_type=jnp.float32)


def _node_pre(nf, w0, b0, w1, b1, g, beta, w1a, w1b):
    out = jax.ShapeDtypeStruct((N_NODES, H), jnp.float32)
    return pl.pallas_call(
        _node_pre_body,
        out_shape=[out, out, out],
    )(nf, w0, b0, w1, b1, g, beta, w1a, w1b)


def _edge_fused_body(ef, pg, qg, w0, b0, w1, b1, g, beta, w1c, b1c,
                     wm1, bm1, gm, btm, e_out):
    x = _silu(jnp.dot(ef[...], w0[...], preferred_element_type=jnp.float32) + b0[...])
    x = _bdot(x, w1[...]) + b1[...]
    e = _ln(x, g[...], beta[...])
    c = _bdot(e, w1c[...]) + b1c[...]
    h1 = pg[...] + qg[...] + c
    y = _bdot(_silu(h1), wm1[...]) + bm1[...]
    e_out[...] = _ln(y, gm[...], btm[...])


def _edge_fused(ef, pg, qg, w0, b0, w1, b1, g, beta, w1c, b1c, wm1, bm1, gm, btm):
    R = 4096
    grid = (NE_PAD // R,)
    def rows(i):
        return (i, 0)
    def rep(i):
        return (0, 0)
    return pl.pallas_call(
        _edge_fused_body,
        grid=grid,
        in_specs=[
            pl.BlockSpec((R, 16), rows),
            pl.BlockSpec((R, H), rows),
            pl.BlockSpec((R, H), rows),
            pl.BlockSpec((16, H), rep), pl.BlockSpec((1, H), rep),
            pl.BlockSpec((H, H), rep), pl.BlockSpec((1, H), rep),
            pl.BlockSpec((1, H), rep), pl.BlockSpec((1, H), rep),
            pl.BlockSpec((H, H), rep), pl.BlockSpec((1, H), rep),
            pl.BlockSpec((H, H), rep), pl.BlockSpec((1, H), rep),
            pl.BlockSpec((1, H), rep), pl.BlockSpec((1, H), rep),
        ],
        out_specs=pl.BlockSpec((R, H), rows),
        out_shape=jax.ShapeDtypeStruct((NE_PAD, H), jnp.float32),
    )(ef, pg, qg, w0, b0, w1, b1, g, beta, w1c, b1c, wm1, bm1, gm, btm)


def _node_post_body(ne, pa, wn0a, wn0b, bn0, wn1, bn1, gn, btn,
                    wd0, bd0, wd1, bd1, gd, btd, out):
    agg = pa[0] + pa[1]
    x = _silu(jnp.dot(ne[...], wn0a[...], preferred_element_type=jnp.float32)
              + jnp.dot(agg, wn0b[...], preferred_element_type=jnp.float32)
              + bn0[...])
    x = jnp.dot(x, wn1[...], preferred_element_type=jnp.float32) + bn1[...]
    ne2 = ne[...] + _ln(x, gn[...], btn[...])
    y = _silu(jnp.dot(ne2, wd0[...], preferred_element_type=jnp.float32) + bd0[...])
    y = jnp.dot(y, wd1[...], preferred_element_type=jnp.float32) + bd1[...]
    out[...] = _ln(y, gd[...], btd[...])


def _node_post(ne, pa, wn0a, wn0b, bn0, wn1, bn1, gn, btn,
               wd0, bd0, wd1, bd1, gd, btd):
    return pl.pallas_call(
        _node_post_body,
        out_shape=jax.ShapeDtypeStruct((N_NODES, H), jnp.float32),
    )(ne, pa, wn0a, wn0b, bn0, wn1, bn1, gn, btn,
      wd0, bd0, wd1, bd1, gd, btd)


def _sc_gather(p, q, si2, di2):
    mesh = plsc.VectorSubcoreMesh(core_axis_name="c", subcore_axis_name="s")
    obf = jax.ShapeDtypeStruct((NE_PAD, H), jnp.float32)

    @functools.partial(
        pl.kernel,
        mesh=mesh,
        out_type=[obf, obf],
        scratch_types=(
            [pltpu.VMEM((G_MAX, CH), jnp.int32),
             pltpu.VMEM((G_MAX, CH), jnp.int32)]
            + [pltpu.VMEM((CH, H), jnp.float32) for _ in range(2 * G_NBUF)]
            + [pltpu.SemaphoreType.DMA for _ in range(2 * G_NBUF)]
        ),
    )
    def run(p_hbm, q_hbm, si_hbm, di_hbm, pg_hbm, qg_hbm, sidx, didx, *bufs):
        pbuf = bufs[0:G_NBUF]
        qbuf = bufs[G_NBUF:2 * G_NBUF]
        semg = bufs[2 * G_NBUF:3 * G_NBUF]
        sems = bufs[3 * G_NBUF:4 * G_NBUF]

        wid = lax.axis_index("s") * NC + lax.axis_index("c")
        first = wid * G_MAX
        n_ch = jnp.minimum(jnp.maximum(NCH - first, 0), G_MAX)

        pltpu.sync_copy(si_hbm.at[pl.ds(first, G_MAX)], sidx)
        pltpu.sync_copy(di_hbm.at[pl.ds(first, G_MAX)], didx)

        ngroups = -(-G_MAX // G_NBUF)

        @pl.loop(0, ngroups)
        def _(t):
            for b in range(G_NBUF):
                i = t * G_NBUF + b

                @pl.when(i < n_ch)
                def _():
                    @pl.when(t > 0)
                    def _():
                        pb = (first + i - G_NBUF) * CH
                        pltpu.make_async_copy(pbuf[b], pg_hbm.at[pl.ds(pb, CH)], sems[b]).wait()
                        pltpu.make_async_copy(qbuf[b], qg_hbm.at[pl.ds(pb, CH)], sems[b]).wait()

                    pltpu.async_copy(p_hbm.at[sidx.at[i]], pbuf[b], semg[b])
                    pltpu.async_copy(q_hbm.at[didx.at[i]], qbuf[b], semg[b])

            for b in range(G_NBUF):
                i = t * G_NBUF + b

                @pl.when(i < n_ch)
                def _():
                    base = (first + i) * CH
                    pltpu.make_async_copy(p_hbm.at[sidx.at[i]], pbuf[b], semg[b]).wait()
                    pltpu.make_async_copy(q_hbm.at[didx.at[i]], qbuf[b], semg[b]).wait()
                    pltpu.async_copy(pbuf[b], pg_hbm.at[pl.ds(base, CH)], sems[b])
                    pltpu.async_copy(qbuf[b], qg_hbm.at[pl.ds(base, CH)], sems[b])

        for b in range(G_NBUF):
            @pl.when(b < n_ch)
            def _():
                pltpu.make_async_copy(pbuf[b], pg_hbm.at[pl.ds(0, CH)], sems[b]).wait()
                pltpu.make_async_copy(qbuf[b], qg_hbm.at[pl.ds(0, CH)], sems[b]).wait()

    return run(p, q, si2, di2)


def _sc_scatter(e_upd, di2):
    mesh = plsc.VectorSubcoreMesh(core_axis_name="c", subcore_axis_name="s")

    @functools.partial(
        pl.kernel,
        mesh=mesh,
        out_type=jax.ShapeDtypeStruct((NC, N_NODES, H), jnp.float32),
        scratch_types=[
            pltpu.VMEM((S_MAX, CH), jnp.int32),
            pltpu.VMEM((CH, H), jnp.float32),
            pltpu.VMEM((CH, H), jnp.float32),
            pltpu.VMEM_SHARED((N_NODES, H), jnp.float32),
            pltpu.SemaphoreType.DMA,
            pltpu.SemaphoreType.DMA,
        ],
    )
    def run(e_hbm, di_hbm, out_hbm, didx, eb0, eb1, acc, sem0, sem1):
        cid = lax.axis_index("c")
        sid = lax.axis_index("s")
        first = cid * (NCH_PAD // NC) + sid * S_MAX
        n_ch = jnp.minimum(jnp.maximum(NCH - first, 0), S_MAX)

        pltpu.sync_copy(di_hbm.at[pl.ds(first, S_MAX)], didx)

        @pl.loop(0, CH)
        def _(r):
            for j in range(H // 16):
                eb0[r, pl.ds(j * 16, 16)] = jnp.zeros((16,), jnp.float32)

        zb = sid * ZR

        @pl.when(sid < NS - 1)
        def _():
            for k in range(4):
                pltpu.sync_copy(eb0, acc.at[pl.ds(zb + k * CH, CH)])
            pltpu.sync_copy(eb0.at[pl.ds(0, ZR - 4 * CH)],
                            acc.at[pl.ds(zb + 4 * CH, ZR - 4 * CH)])

        @pl.when(sid == NS - 1)
        def _():
            for k in range(5):
                pltpu.sync_copy(eb0, acc.at[pl.ds(zb + k * CH, CH)])

        plsc.subcore_barrier()

        ebuf = (eb0, eb1)
        sem = (sem0, sem1)

        for b in range(2):
            @pl.when(b < n_ch)
            def _():
                base = (first + b) * CH
                pltpu.async_copy(e_hbm.at[pl.ds(base, CH)], ebuf[b], sem[b])

        @pl.loop(0, S_MAX // 2)
        def _(t):
            for b in range(2):
                i = 2 * t + b

                @pl.when(i < n_ch)
                def _():
                    base = (first + i) * CH
                    pltpu.make_async_copy(e_hbm.at[pl.ds(base, CH)], ebuf[b], sem[b]).wait()
                    pltpu.sync_copy(ebuf[b], acc.at[didx.at[i]], add=True)

                    @pl.when(i + 2 < n_ch)
                    def _():
                        nbase = (first + i + 2) * CH
                        pltpu.async_copy(e_hbm.at[pl.ds(nbase, CH)], ebuf[b], sem[b])

        plsc.subcore_barrier()

        @pl.when(sid < NS - 1)
        def _():
            pltpu.sync_copy(acc.at[pl.ds(sid * ZR, ZR)],
                            out_hbm.at[cid, pl.ds(sid * ZR, ZR)])

        @pl.when(sid == NS - 1)
        def _():
            pltpu.sync_copy(acc.at[pl.ds(sid * ZR, 640)],
                            out_hbm.at[cid, pl.ds(sid * ZR, 640)])

    return run(e_upd, di2)


def kernel(node_features, edge_features, node_index, edge_index, params):
    nf = node_features.reshape(N_NODES, 128)
    ef = edge_features.reshape(N_EDGES, 16)
    src = edge_index[0].astype(jnp.int32)
    dst = edge_index[1].astype(jnp.int32)
    pad = NE_PAD - N_EDGES
    si2 = jnp.pad(src, (0, pad)).reshape(NCH_PAD, CH)
    di2 = jnp.pad(dst, (0, pad)).reshape(NCH_PAD, CH)
    efp = jnp.pad(ef, ((0, pad), (0, 0)))

    def lw(p, i):
        W, b = p["layers"][i]
        return W, b.reshape(1, -1)

    def lng(p):
        g, b = p["ln"]
        return g.reshape(1, -1), b.reshape(1, -1)

    we0, be0 = lw(params["embed"], 0)
    we1, be1 = lw(params["embed"], 1)
    ge, bte = lng(params["embed"])

    wee0, bee0 = lw(params["edge_embed"], 0)
    wee1, bee1 = lw(params["edge_embed"], 1)
    gee, btee = lng(params["edge_embed"])

    wm0, bm0 = lw(params["edge_mlp"], 0)
    wm1, bm1 = lw(params["edge_mlp"], 1)
    gm, btm = lng(params["edge_mlp"])
    w1a, w1b, w1c = wm0[0:H], wm0[H:2 * H], wm0[2 * H:3 * H]

    wn0, bn0 = lw(params["node_mlp"], 0)
    wn1, bn1 = lw(params["node_mlp"], 1)
    gn, btn = lng(params["node_mlp"])
    wn0a, wn0b = wn0[0:H], wn0[H:2 * H]

    wd0, bd0 = lw(params["deembed"], 0)
    wd1, bd1 = lw(params["deembed"], 1)
    gd, btd = lng(params["deembed"])

    ne, p_arr, q_arr = _node_pre(nf, we0, be0, we1, be1, ge, bte, w1a, w1b)
    pg, qg = _sc_gather(p_arr, q_arr, si2, di2)
    e_upd = _edge_fused(efp, pg, qg, wee0, bee0, wee1, bee1, gee, btee,
                        w1c, bm0, wm1, bm1, gm, btm)
    partials = _sc_scatter(e_upd, di2)
    out = _node_post(ne, partials, wn0a, wn0b, bn0, wn1, bn1, gn, btn,
                     wd0, bd0, wd1, bd1, gd, btd)
    return out.reshape(1, N_NODES, H)

# --- scband reference (transcript-rebuilt; emitter-appended) ---
"""Pipeline reference for scband-sequential-gnnmodel-33062658245297 (READ-ONLY COPY).

The authoritative reference and input builder live on the scoring server;
editing this copy changes nothing except your own understanding.
"""

import jax, jax.numpy as jnp
import numpy as np

HIDDEN = 128
N_NODES = 10000
N_EDGES = 160000
D_NODE = 128
D_EDGE = 16

def make_mlp_params(key, dims):
    layers = []
    for i in range(len(dims) - 1):
        key, k1 = jax.random.split(key)
        W = jax.random.normal(k1, (dims[i], dims[i + 1]), jnp.float32) * (1.0 / np.sqrt(dims[i]))
        b = jnp.zeros((dims[i + 1],), jnp.float32)
        layers.append((W, b))
    ln = (jnp.ones((dims[-1],), jnp.float32), jnp.zeros((dims[-1],), jnp.float32))
    return {"layers": layers, "ln": ln}

def mlp_apply(params, x):
    n = len(params["layers"])
    for i, (W, b) in enumerate(params["layers"]):
        x = x @ W + b
        if i < n - 1:
            x = jax.nn.silu(x)
    g, beta = params["ln"]
    mu = x.mean(axis=-1, keepdims=True)
    var = jnp.var(x, axis=-1, keepdims=True)
    x = (x - mu) / jnp.sqrt(var + 1e-5) * g + beta
    return x

def setup_inputs(seed: int = 0) -> dict:
    key = jax.random.key(seed)
    ks = jax.random.split(key, 8)
    node_features = jax.random.normal(ks[0], (1, N_NODES, D_NODE), jnp.float32)
    edge_features = jax.random.normal(ks[1], (1, N_EDGES, D_EDGE), jnp.float32)
    node_index = jnp.arange(N_NODES)
    edge_index = jax.random.randint(ks[2], (2, N_EDGES), 0, N_NODES)
    params = {
        "embed": make_mlp_params(ks[3], [D_NODE, HIDDEN, HIDDEN]),
        "deembed": make_mlp_params(ks[4], [HIDDEN, HIDDEN, D_NODE]),
        "edge_embed": make_mlp_params(ks[5], [D_EDGE, HIDDEN, HIDDEN]),
        "edge_mlp": make_mlp_params(ks[6], [3 * HIDDEN, HIDDEN, HIDDEN]),
        "node_mlp": make_mlp_params(ks[7], [2 * HIDDEN, HIDDEN, HIDDEN]),
    }
    return {"node_features": node_features, "edge_features": edge_features,
            "node_index": node_index, "edge_index": edge_index, "params": params}

def reference(node_features, edge_features, node_index, edge_index, params):
    B = node_features.shape[0]
    # embed nodes into global node slot tensor (scatter-overwrite by node_index)
    node_emb = jnp.zeros((B, N_NODES, HIDDEN), jnp.float32)
    node_emb = node_emb.at[:, node_index, :].set(mlp_apply(params["embed"], node_features))
    # embed edges
    edge_emb = mlp_apply(params["edge_embed"], edge_features)
    # InteractionNet process step (update_edges=True, residual)
    src = node_emb[:, edge_index[0], :]
    dst = node_emb[:, edge_index[1], :]
    e_upd = mlp_apply(params["edge_mlp"], jnp.concatenate([src, dst, edge_emb], axis=-1))
    agg = jnp.zeros((B, N_NODES, HIDDEN), jnp.float32).at[:, edge_index[1], :].add(e_upd)
    n_upd = mlp_apply(params["node_mlp"], jnp.concatenate([node_emb, agg], axis=-1))
    node_emb = node_emb + n_upd
    edge_emb = edge_emb + e_upd
    # deembed subgraph nodes (gather by node_index)
    out = mlp_apply(params["deembed"], node_emb[:, node_index, :])
    return out

if __name__ == "__main__":
    import jax
    _d = setup_inputs()
    print(jax.jit(kernel)(*tuple(_d.values())))

</pallas_src>

<mosaic_0001>
#map = affine_map<(d0, d1) -> (0, 0)>
#map1 = affine_map<(d0, d1) -> (0, 0, 0)>
module attributes {stable_mosaic.version = 14 : i64} {
  func.func @run(%arg0: i32, %arg1: i32, %arg2: memref<163840x128xf32, #tpu.memory_space<hbm>>, %arg3: memref<1280x128xi32, #tpu.memory_space<hbm>>, %arg4: memref<2x10000x128xf32, #tpu.memory_space<hbm>>, %arg5: memref<40x128xi32, #tpu.memory_space<vmem>>, %arg6: memref<128x128xf32, #tpu.memory_space<vmem>>, %arg7: memref<128x128xf32, #tpu.memory_space<vmem>>, %arg8: memref<10000x128xf32, #tpu.memory_space<vmem_shared>>, %arg9: memref<!tpu.dma_semaphore, #tpu.memory_space<semaphore_mem>>, %arg10: memref<!tpu.dma_semaphore, #tpu.memory_space<semaphore_mem>>) attributes {dimension_semantics = [#tpu.dimension_semantics<core_parallel>, #tpu.dimension_semantics<subcore_parallel>], iteration_bounds = array<i64: 2, 16>, scalar_prefetch = 0 : i64, scratch_operands = 6 : i64, tpu.core_type = #tpu.core_type<sc_vector_subcore>, window_params = [{transform_indices = #map}, {transform_indices = #map}, {transform_indices = #map1}]} {
    %mul3A = arith.constant 640 : i32
    %mul3A_0 = arith.muli %arg0, %mul3A : i32
    %mul3A_1 = arith.constant 40 : i32
    %mul3A_2 = arith.muli %arg1, %mul3A_1 : i32
    %add3A = arith.addi %mul3A_0, %mul3A_2 : i32
    %sub3A = arith.constant 1250 : i32
    %sub3A_3 = arith.subi %sub3A, %add3A : i32
    %max3A = arith.constant 0 : i32
    %max3A_4 = arith.maxsi %sub3A_3, %max3A : i32
    %min3A = arith.constant 40 : i32
    %min3A_5 = arith.minsi %max3A_4, %min3A : i32
    "tpu.region"() ({
      %run_scoped3A = tpu.sem_alloc : memref<!tpu.dma_semaphore, #tpu.memory_space<semaphore_mem>>
      %dma_start3A = arith.constant 0 : i32
      %dma_start3A_43 = tpu.memref_slice %arg3[%add3A, %dma_start3A] : memref<1280x128xi32, #tpu.memory_space<hbm>> -> memref<40x128xi32, #tpu.memory_space<hbm>>
      %dma_start3A_44 = arith.constant 0 : i32
      %dma_start3A_45 = tpu.memref_slice %arg3[%add3A, %dma_start3A_44] : memref<1280x128xi32, #tpu.memory_space<hbm>> -> memref<40x128xi32, #tpu.memory_space<hbm>>
      tpu.enqueue_dma source(%dma_start3A_45 : memref<40x128xi32, #tpu.memory_space<hbm>>) target(%arg5 : memref<40x128xi32, #tpu.memory_space<vmem>>) target_semaphore(%run_scoped3A : memref<!tpu.dma_semaphore, #tpu.memory_space<semaphore_mem>>)
      %dma_wait3A = arith.constant 0 : i32
      %dma_wait3A_46 = tpu.memref_slice %arg3[%add3A, %dma_wait3A] : memref<1280x128xi32, #tpu.memory_space<hbm>> -> memref<40x128xi32, #tpu.memory_space<hbm>>
      %dma_wait3A_47 = arith.constant 0 : i32
      %dma_wait3A_48 = tpu.memref_slice %arg3[%add3A, %dma_wait3A_47] : memref<1280x128xi32, #tpu.memory_space<hbm>> -> memref<40x128xi32, #tpu.memory_space<hbm>>
      tpu.wait_dma2 semaphore(%run_scoped3A : memref<!tpu.dma_semaphore, #tpu.memory_space<semaphore_mem>>) src(%dma_wait3A_48 : memref<40x128xi32, #tpu.memory_space<hbm>>) dst(%arg5 : memref<40x128xi32, #tpu.memory_space<vmem>>)
      tpu.yield
    }) : () -> ()
    %scan3A = arith.constant 0 : i32
    %scan3A_6 = arith.constant 128 : i32
    %scan3A_7 = arith.addi %scan3A, %scan3A_6 : i32
    %scan3A_8 = arith.constant 1 : i32
    scf.for %scan3A_43 = %scan3A to %scan3A_7 step %scan3A_8  : i32 {
      %mul3A_44 = arith.constant 1 : i32
      %mul3A_45 = arith.muli %scan3A_43, %mul3A_44 : i32
      %add3A_46 = arith.constant 0 : i32
      %add3A_47 = arith.addi %add3A_46, %mul3A_45 : i32
      %broadcast_in_dim3A = arith.constant 0.000000e+00 : f32
      %broadcast_in_dim3A_48 = vector.broadcast %broadcast_in_dim3A : f32 to vector<16xf32>
      %swap3A = arith.index_cast %add3A_47 : i32 to index
      %swap3A_49 = arith.constant 0 : index
      %swap3A_50 = tpu.vector_load %arg6[%swap3A, %swap3A_49] {strides = array<i32>} : memref<128x128xf32, #tpu.memory_space<vmem>>, vector<1x16xf32>,
      %swap3A_51 = vector.shape_cast %swap3A_50 : vector<1x16xf32> to vector<16xf32>
      %swap3A_52 = vector.shape_cast %broadcast_in_dim3A_48 : vector<16xf32> to vector<1x16xf32>
      tpu.vector_store %arg6[%swap3A, %swap3A_49], %swap3A_52 {strides = array<i32>} : memref<128x128xf32, #tpu.memory_space<vmem>>, vector<1x16xf32>,
      %broadcast_in_dim3A_53 = arith.constant 0.000000e+00 : f32
      %broadcast_in_dim3A_54 = vector.broadcast %broadcast_in_dim3A_53 : f32 to vector<16xf32>
      %swap3A_55 = arith.index_cast %add3A_47 : i32 to index
      %swap3A_56 = arith.constant 16 : index
      %swap3A_57 = tpu.vector_load %arg6[%swap3A_55, %swap3A_56] {strides = array<i32>} : memref<128x128xf32, #tpu.memory_space<vmem>>, vector<1x16xf32>,
      %swap3A_58 = vector.shape_cast %swap3A_57 : vector<1x16xf32> to vector<16xf32>
      %swap3A_59 = vector.shape_cast %broadcast_in_dim3A_54 : vector<16xf32> to vector<1x16xf32>
      tpu.vector_store %arg6[%swap3A_55, %swap3A_56], %swap3A_59 {strides = array<i32>} : memref<128x128xf32, #tpu.memory_space<vmem>>, vector<1x16xf32>,
      %broadcast_in_dim3A_60 = arith.constant 0.000000e+00 : f32
      %broadcast_in_dim3A_61 = vector.broadcast %broadcast_in_dim3A_60 : f32 to vector<16xf32>
      %swap3A_62 = arith.index_cast %add3A_47 : i32 to index
      %swap3A_63 = arith.constant 32 : index
      %swap3A_64 = tpu.vector_load %arg6[%swap3A_62, %swap3A_63] {strides = array<i32>} : memref<128x128xf32, #tpu.memory_space<vmem>>, vector<1x16xf32>,
      %swap3A_65 = vector.shape_cast %swap3A_64 : vector<1x16xf32> to vector<16xf32>
      %swap3A_66 = vector.shape_cast %broadcast_in_dim3A_61 : vector<16xf32> to vector<1x16xf32>
      tpu.vector_store %arg6[%swap3A_62, %swap3A_63], %swap3A_66 {strides = array<i32>} : memref<128x128xf32, #tpu.memory_space<vmem>>, vector<1x16xf32>,
      %broadcast_in_dim3A_67 = arith.constant 0.000000e+00 : f32
      %broadcast_in_dim3A_68 = vector.broadcast %broadcast_in_dim3A_67 : f32 to vector<16xf32>
      %swap3A_69 = arith.index_cast %add3A_47 : i32 to index
      %swap3A_70 = arith.constant 48 : index
      %swap3A_71 = tpu.vector_load %arg6[%swap3A_69, %swap3A_70] {strides = array<i32>} : memref<128x128xf32, #tpu.memory_space<vmem>>, vector<1x16xf32>,
      %swap3A_72 = vector.shape_cast %swap3A_71 : vector<1x16xf32> to vector<16xf32>
      %swap3A_73 = vector.shape_cast %broadcast_in_dim3A_68 : vector<16xf32> to vector<1x16xf32>
      tpu.vector_store %arg6[%swap3A_69, %swap3A_70], %swap3A_73 {strides = array<i32>} : memref<128x128xf32, #tpu.memory_space<vmem>>, vector<1x16xf32>,
      %broadcast_in_dim3A_74 = arith.constant 0.000000e+00 : f32
      %broadcast_in_dim3A_75 = vector.broadcast %broadcast_in_dim3A_74 : f32 to vector<16xf32>
      %swap3A_76 = arith.index_cast %add3A_47 : i32 to index
      %swap3A_77 = arith.constant 64 : index
      %swap3A_78 = tpu.vector_load %arg6[%swap3A_76, %swap3A_77] {strides = array<i32>} : memref<128x128xf32, #tpu.memory_space<vmem>>, vector<1x16xf32>,
      %swap3A_79 = vector.shape_cast %swap3A_78 : vector<1x16xf32> to vector<16xf32>
      %swap3A_80 = vector.shape_cast %broadcast_in_dim3A_75 : vector<16xf32> to vector<1x16xf32>
      tpu.vector_store %arg6[%swap3A_76, %swap3A_77], %swap3A_80 {strides = array<i32>} : memref<128x128xf32, #tpu.memory_space<vmem>>, vector<1x16xf32>,
      %broadcast_in_dim3A_81 = arith.constant 0.000000e+00 : f32
      %broadcast_in_dim3A_82 = vector.broadcast %broadcast_in_dim3A_81 : f32 to vector<16xf32>
      %swap3A_83 = arith.index_cast %add3A_47 : i32 to index
      %swap3A_84 = arith.constant 80 : index
      %swap3A_85 = tpu.vector_load %arg6[%swap3A_83, %swap3A_84] {strides = array<i32>} : memref<128x128xf32, #tpu.memory_space<vmem>>, vector<1x16xf32>,
      %swap3A_86 = vector.shape_cast %swap3A_85 : vector<1x16xf32> to vector<16xf32>
      %swap3A_87 = vector.shape_cast %broadcast_in_dim3A_82 : vector<16xf32> to vector<1x16xf32>
      tpu.vector_store %arg6[%swap3A_83, %swap3A_84], %swap3A_87 {strides = array<i32>} : memref<128x128xf32, #tpu.memory_space<vmem>>, vector<1x16xf32>,
      %broadcast_in_dim3A_88 = arith.constant 0.000000e+00 : f32
      %broadcast_in_dim3A_89 = vector.broadcast %broadcast_in_dim3A_88 : f32 to vector<16xf32>
      %swap3A_90 = arith.index_cast %add3A_47 : i32 to index
      %swap3A_91 = arith.constant 96 : index
      %swap3A_92 = tpu.vector_load %arg6[%swap3A_90, %swap3A_91] {strides = array<i32>} : memref<128x128xf32, #tpu.memory_space<vmem>>, vector<1x16xf32>,
      %swap3A_93 = vector.shape_cast %swap3A_92 : vector<1x16xf32> to vector<16xf32>
      %swap3A_94 = vector.shape_cast %broadcast_in_dim3A_89 : vector<16xf32> to vector<1x16xf32>
      tpu.vector_store %arg6[%swap3A_90, %swap3A_91], %swap3A_94 {strides = array<i32>} : memref<128x128xf32, #tpu.memory_space<vmem>>, vector<1x16xf32>,
      %broadcast_in_dim3A_95 = arith.constant 0.000000e+00 : f32
      %broadcast_in_dim3A_96 = vector.broadcast %broadcast_in_dim3A_95 : f32 to vector<16xf32>
      %swap3A_97 = arith.index_cast %add3A_47 : i32 to index
      %swap3A_98 = arith.constant 112 : index
      %swap3A_99 = tpu.vector_load %arg6[%swap3A_97, %swap3A_98] {strides = array<i32>} : memref<128x128xf32, #tpu.memory_space<vmem>>, vector<1x16xf32>,
      %swap3A_100 = vector.shape_cast %swap3A_99 : vector<1x16xf32> to vector<16xf32>
      %swap3A_101 = vector.shape_cast %broadcast_in_dim3A_96 : vector<16xf32> to vector<1x16xf32>
      tpu.vector_store %arg6[%swap3A_97, %swap3A_98], %swap3A_101 {strides = array<i32>} : memref<128x128xf32, #tpu.memory_space<vmem>>, vector<1x16xf32>,
    }
    %scan3A_9 = arith.constant 128 : i32
    %mul3A_10 = arith.constant 624 : i32
    %mul3A_11 = arith.muli %arg1, %mul3A_10 : i32
    %lt3A = arith.constant 15 : i32
    %lt3A_12 = arith.cmpi slt, %arg1, %lt3A : i32
    %convert_element_type3A = arith.extui %lt3A_12 : i1 to i32
    %cond3A = arith.constant 0 : i32
    %cond3A_13 = arith.cmpi ne, %convert_element_type3A, %cond3A : i32
    scf.if %cond3A_13 {
      %add3A_43 = arith.constant 0 : i32
      %add3A_44 = arith.addi %mul3A_11, %add3A_43 : i32
      "tpu.region"() ({
        %run_scoped3A = tpu.sem_alloc : memref<!tpu.dma_semaphore, #tpu.memory_space<semaphore_mem>>
        %dma_start3A = arith.constant 0 : i32
        %dma_start3A_53 = tpu.memref_slice %arg8[%add3A_44, %dma_start3A] : memref<10000x128xf32, #tpu.memory_space<vmem_shared>> -> memref<128x128xf32, #tpu.memory_space<vmem_shared>>
        %dma_start3A_54 = arith.constant 0 : i32
        %dma_start3A_55 = tpu.memref_slice %arg8[%add3A_44, %dma_start3A_54] : memref<10000x128xf32, #tpu.memory_space<vmem_shared>> -> memref<128x128xf32, #tpu.memory_space<vmem_shared>>
        tpu.enqueue_dma source(%arg6 : memref<128x128xf32, #tpu.memory_space<vmem>>) target(%dma_start3A_55 : memref<128x128xf32, #tpu.memory_space<vmem_shared>>) target_semaphore(%run_scoped3A : memref<!tpu.dma_semaphore, #tpu.memory_space<semaphore_mem>>)
        %dma_wait3A = arith.constant 0 : i32
        %dma_wait3A_56 = tpu.memref_slice %arg8[%add3A_44, %dma_wait3A] : memref<10000x128xf32, #tpu.memory_space<vmem_shared>> -> memref<128x128xf32, #tpu.memory_space<vmem_shared>>
        %dma_wait3A_57 = arith.constant 0 : i32
        %dma_wait3A_58 = tpu.memref_slice %arg8[%add3A_44, %dma_wait3A_57] : memref<10000x128xf32, #tpu.memory_space<vmem_shared>> -> memref<128x128xf32, #tpu.memory_space<vmem_shared>>
        tpu.wait_dma2 semaphore(%run_scoped3A : memref<!tpu.dma_semaphore, #tpu.memory_space<semaphore_mem>>) src(%arg6 : memref<128x128xf32, #tpu.memory_space<vmem>>) dst(%dma_wait3A_58 : memref<128x128xf32, #tpu.memory_space<vmem_shared>>)
        tpu.yield
      }) : () -> ()
      %add3A_45 = arith.constant 128 : i32
      %add3A_46 = arith.addi %mul3A_11, %add3A_45 : i32
      "tpu.region"() ({
        %run_scoped3A = tpu.sem_alloc : memref<!tpu.dma_semaphore, #tpu.memory_space<semaphore_mem>>
        %dma_start3A = arith.constant 0 : i32
        %dma_start3A_53 = tpu.memref_slice %arg8[%add3A_46, %dma_start3A] : memref<10000x128xf32, #tpu.memory_space<vmem_shared>> -> memref<128x128xf32, #tpu.memory_space<vmem_shared>>
        %dma_start3A_54 = arith.constant 0 : i32
        %dma_start3A_55 = tpu.memref_slice %arg8[%add3A_46, %dma_start3A_54] : memref<10000x128xf32, #tpu.memory_space<vmem_shared>> -> memref<128x128xf32, #tpu.memory_space<vmem_shared>>
        tpu.enqueue_dma source(%arg6 : memref<128x128xf32, #tpu.memory_space<vmem>>) target(%dma_start3A_55 : memref<128x128xf32, #tpu.memory_space<vmem_shared>>) target_semaphore(%run_scoped3A : memref<!tpu.dma_semaphore, #tpu.memory_space<semaphore_mem>>)
        %dma_wait3A = arith.constant 0 : i32
        %dma_wait3A_56 = tpu.memref_slice %arg8[%add3A_46, %dma_wait3A] : memref<10000x128xf32, #tpu.memory_space<vmem_shared>> -> memref<128x128xf32, #tpu.memory_space<vmem_shared>>
        %dma_wait3A_57 = arith.constant 0 : i32
        %dma_wait3A_58 = tpu.memref_slice %arg8[%add3A_46, %dma_wait3A_57] : memref<10000x128xf32, #tpu.memory_space<vmem_shared>> -> memref<128x128xf32, #tpu.memory_space<vmem_shared>>
        tpu.wait_dma2 semaphore(%run_scoped3A : memref<!tpu.dma_semaphore, #tpu.memory_space<semaphore_mem>>) src(%arg6 : memref<128x128xf32, #tpu.memory_space<vmem>>) dst(%dma_wait3A_58 : memref<128x128xf32, #tpu.memory_space<vmem_shared>>)
        tpu.yield
      }) : () -> ()
      %add3A_47 = arith.constant 256 : i32
      %add3A_48 = arith.addi %mul3A_11, %add3A_47 : i32
      "tpu.region"() ({
        %run_scoped3A = tpu.sem_alloc : memref<!tpu.dma_semaphore, #tpu.memory_space<semaphore_mem>>
        %dma_start3A = arith.constant 0 : i32
        %dma_start3A_53 = tpu.memref_slice %arg8[%add3A_48, %dma_start3A] : memref<10000x128xf32, #tpu.memory_space<vmem_shared>> -> memref<128x128xf32, #tpu.memory_space<vmem_shared>>
        %dma_start3A_54 = arith.constant 0 : i32
        %dma_start3A_55 = tpu.memref_slice %arg8[%add3A_48, %dma_start3A_54] : memref<10000x128xf32, #tpu.memory_space<vmem_shared>> -> memref<128x128xf32, #tpu.memory_space<vmem_shared>>
        tpu.enqueue_dma source(%arg6 : memref<128x128xf32, #tpu.memory_space<vmem>>) target(%dma_start3A_55 : memref<128x128xf32, #tpu.memory_space<vmem_shared>>) target_semaphore(%run_scoped3A : memref<!tpu.dma_semaphore, #tpu.memory_space<semaphore_mem>>)
        %dma_wait3A = arith.constant 0 : i32
        %dma_wait3A_56 = tpu.memref_slice %arg8[%add3A_48, %dma_wait3A] : memref<10000x128xf32, #tpu.memory_space<vmem_shared>> -> memref<128x128xf32, #tpu.memory_space<vmem_shared>>
        %dma_wait3A_57 = arith.constant 0 : i32
        %dma_wait3A_58 = tpu.memref_slice %arg8[%add3A_48, %dma_wait3A_57] : memref<10000x128xf32, #tpu.memory_space<vmem_shared>> -> memref<128x128xf32, #tpu.memory_space<vmem_shared>>
        tpu.wait_dma2 semaphore(%run_scoped3A : memref<!tpu.dma_semaphore, #tpu.memory_space<semaphore_mem>>) src(%arg6 : memref<128x128xf32, #tpu.memory_space<vmem>>) dst(%dma_wait3A_58 : memref<128x128xf32, #tpu.memory_space<vmem_shared>>)
        tpu.yield
      }) : () -> ()
      %add3A_49 = arith.constant 384 : i32
      %add3A_50 = arith.addi %mul3A_11, %add3A_49 : i32
      "tpu.region"() ({
        %run_scoped3A = tpu.sem_alloc : memref<!tpu.dma_semaphore, #tpu.memory_space<semaphore_mem>>
        %dma_start3A = arith.constant 0 : i32
        %dma_start3A_53 = tpu.memref_slice %arg8[%add3A_50, %dma_start3A] : memref<10000x128xf32, #tpu.memory_space<vmem_shared>> -> memref<128x128xf32, #tpu.memory_space<vmem_shared>>
        %dma_start3A_54 = arith.constant 0 : i32
        %dma_start3A_55 = tpu.memref_slice %arg8[%add3A_50, %dma_start3A_54] : memref<10000x128xf32, #tpu.memory_space<vmem_shared>> -> memref<128x128xf32, #tpu.memory_space<vmem_shared>>
        tpu.enqueue_dma source(%arg6 : memref<128x128xf32, #tpu.memory_space<vmem>>) target(%dma_start3A_55 : memref<128x128xf32, #tpu.memory_space<vmem_shared>>) target_semaphore(%run_scoped3A : memref<!tpu.dma_semaphore, #tpu.memory_space<semaphore_mem>>)
        %dma_wait3A = arith.constant 0 : i32
        %dma_wait3A_56 = tpu.memref_slice %arg8[%add3A_50, %dma_wait3A] : memref<10000x128xf32, #tpu.memory_space<vmem_shared>> -> memref<128x128xf32, #tpu.memory_space<vmem_shared>>
        %dma_wait3A_57 = arith.constant 0 : i32
        %dma_wait3A_58 = tpu.memref_slice %arg8[%add3A_50, %dma_wait3A_57] : memref<10000x128xf32, #tpu.memory_space<vmem_shared>> -> memref<128x128xf32, #tpu.memory_space<vmem_shared>>
        tpu.wait_dma2 semaphore(%run_scoped3A : memref<!tpu.dma_semaphore, #tpu.memory_space<semaphore_mem>>) src(%arg6 : memref<128x128xf32, #tpu.memory_space<vmem>>) dst(%dma_wait3A_58 : memref<128x128xf32, #tpu.memory_space<vmem_shared>>)
        tpu.yield
      }) : () -> ()
      %add3A_51 = arith.constant 512 : i32
      %add3A_52 = arith.addi %mul3A_11, %add3A_51 : i32
      "tpu.region"() ({
        %run_scoped3A = tpu.sem_alloc : memref<!tpu.dma_semaphore, #tpu.memory_space<semaphore_mem>>
        %dma_start3A = arith.constant 0 : i32
        %dma_start3A_53 = arith.constant 0 : i32
        %dma_start3A_54 = tpu.memref_slice %arg6[%dma_start3A, %dma_start3A_53] : memref<128x128xf32, #tpu.memory_space<vmem>> -> memref<112x128xf32, #tpu.memory_space<vmem>>
        %dma_start3A_55 = arith.constant 0 : i32
        %dma_start3A_56 = tpu.memref_slice %arg8[%add3A_52, %dma_start3A_55] : memref<10000x128xf32, #tpu.memory_space<vmem_shared>> -> memref<112x128xf32, #tpu.memory_space<vmem_shared>>
        %dma_start3A_57 = arith.constant 0 : i32
        %dma_start3A_58 = tpu.memref_slice %arg8[%add3A_52, %dma_start3A_57] : memref<10000x128xf32, #tpu.memory_space<vmem_shared>> -> memref<112x128xf32, #tpu.memory_space<vmem_shared>>
        %dma_start3A_59 = arith.constant 0 : i32
        %dma_start3A_60 = arith.constant 0 : i32
        %dma_start3A_61 = tpu.memref_slice %arg6[%dma_start3A_59, %dma_start3A_60] : memref<128x128xf32, #tpu.memory_space<vmem>> -> memref<112x128xf32, #tpu.memory_space<vmem>>
        tpu.enqueue_dma source(%dma_start3A_61 : memref<112x128xf32, #tpu.memory_space<vmem>>) target(%dma_start3A_58 : memref<112x128xf32, #tpu.memory_space<vmem_shared>>) target_semaphore(%run_scoped3A : memref<!tpu.dma_semaphore, #tpu.memory_space<semaphore_mem>>)
        %dma_wait3A = arith.constant 0 : i32
        %dma_wait3A_62 = arith.constant 0 : i32
        %dma_wait3A_63 = tpu.memref_slice %arg6[%dma_wait3A, %dma_wait3A_62] : memref<128x128xf32, #tpu.memory_space<vmem>> -> memref<112x128xf32, #tpu.memory_space<vmem>>
        %dma_wait3A_64 = arith.constant 0 : i32
        %dma_wait3A_65 = tpu.memref_slice %arg8[%add3A_52, %dma_wait3A_64] : memref<10000x128xf32, #tpu.memory_space<vmem_shared>> -> memref<112x128xf32, #tpu.memory_space<vmem_shared>>
        %dma_wait3A_66 = arith.constant 0 : i32
        %dma_wait3A_67 = tpu.memref_slice %arg8[%add3A_52, %dma_wait3A_66] : memref<10000x128xf32, #tpu.memory_space<vmem_shared>> -> memref<112x128xf32, #tpu.memory_space<vmem_shared>>
        %dma_wait3A_68 = arith.constant 0 : i32
        %dma_wait3A_69 = arith.constant 0 : i32
        %dma_wait3A_70 = tpu.memref_slice %arg6[%dma_wait3A_68, %dma_wait3A_69] : memref<128x128xf32, #tpu.memory_space<vmem>> -> memref<112x128xf32, #tpu.memory_space<vmem>>
        tpu.wait_dma2 semaphore(%run_scoped3A : memref<!tpu.dma_semaphore, #tpu.memory_space<semaphore_mem>>) src(%dma_wait3A_70 : memref<112x128xf32, #tpu.memory_space<vmem>>) dst(%dma_wait3A_67 : memref<112x128xf32, #tpu.memory_space<vmem_shared>>)
        tpu.yield
      }) : () -> ()
    } else {
    }
    %eq3A = arith.constant 15 : i32
    %eq3A_14 = arith.cmpi eq, %arg1, %eq3A : i32
    %convert_element_type3A_15 = arith.extui %eq3A_14 : i1 to i32
    %cond3A_16 = arith.constant 0 : i32
    %cond3A_17 = arith.cmpi ne, %convert_element_type3A_15, %cond3A_16 : i32
    scf.if %cond3A_17 {
      %add3A_43 = arith.constant 0 : i32
      %add3A_44 = arith.addi %mul3A_11, %add3A_43 : i32
      "tpu.region"() ({
        %run_scoped3A = tpu.sem_alloc : memref<!tpu.dma_semaphore, #tpu.memory_space<semaphore_mem>>
        %dma_start3A = arith.constant 0 : i32
        %dma_start3A_53 = tpu.memref_slice %arg8[%add3A_44, %dma_start3A] : memref<10000x128xf32, #tpu.memory_space<vmem_shared>> -> memref<128x128xf32, #tpu.memory_space<vmem_shared>>
        %dma_start3A_54 = arith.constant 0 : i32
        %dma_start3A_55 = tpu.memref_slice %arg8[%add3A_44, %dma_start3A_54] : memref<10000x128xf32, #tpu.memory_space<vmem_shared>> -> memref<128x128xf32, #tpu.memory_space<vmem_shared>>
        tpu.enqueue_dma source(%arg6 : memref<128x128xf32, #tpu.memory_space<vmem>>) target(%dma_start3A_55 : memref<128x128xf32, #tpu.memory_space<vmem_shared>>) target_semaphore(%run_scoped3A : memref<!tpu.dma_semaphore, #tpu.memory_space<semaphore_mem>>)
        %dma_wait3A = arith.constant 0 : i32
        %dma_wait3A_56 = tpu.memref_slice %arg8[%add3A_44, %dma_wait3A] : memref<10000x128xf32, #tpu.memory_space<vmem_shared>> -> memref<128x128xf32, #tpu.memory_space<vmem_shared>>
        %dma_wait3A_57 = arith.constant 0 : i32
        %dma_wait3A_58 = tpu.memref_slice %arg8[%add3A_44, %dma_wait3A_57] : memref<10000x128xf32, #tpu.memory_space<vmem_shared>> -> memref<128x128xf32, #tpu.memory_space<vmem_shared>>
        tpu.wait_dma2 semaphore(%run_scoped3A : memref<!tpu.dma_semaphore, #tpu.memory_space<semaphore_mem>>) src(%arg6 : memref<128x128xf32, #tpu.memory_space<vmem>>) dst(%dma_wait3A_58 : memref<128x128xf32, #tpu.memory_space<vmem_shared>>)
        tpu.yield
      }) : () -> ()
      %add3A_45 = arith.constant 128 : i32
      %add3A_46 = arith.addi %mul3A_11, %add3A_45 : i32
      "tpu.region"() ({
        %run_scoped3A = tpu.sem_alloc : memref<!tpu.dma_semaphore, #tpu.memory_space<semaphore_mem>>
        %dma_start3A = arith.constant 0 : i32
        %dma_start3A_53 = tpu.memref_slice %arg8[%add3A_46, %dma_start3A] : memref<10000x128xf32, #tpu.memory_space<vmem_shared>> -> memref<128x128xf32, #tpu.memory_space<vmem_shared>>
        %dma_start3A_54 = arith.constant 0 : i32
        %dma_start3A_55 = tpu.memref_slice %arg8[%add3A_46, %dma_start3A_54] : memref<10000x128xf32, #tpu.memory_space<vmem_shared>> -> memref<128x128xf32, #tpu.memory_space<vmem_shared>>
        tpu.enqueue_dma source(%arg6 : memref<128x128xf32, #tpu.memory_space<vmem>>) target(%dma_start3A_55 : memref<128x128xf32, #tpu.memory_space<vmem_shared>>) target_semaphore(%run_scoped3A : memref<!tpu.dma_semaphore, #tpu.memory_space<semaphore_mem>>)
        %dma_wait3A = arith.constant 0 : i32
        %dma_wait3A_56 = tpu.memref_slice %arg8[%add3A_46, %dma_wait3A] : memref<10000x128xf32, #tpu.memory_space<vmem_shared>> -> memref<128x128xf32, #tpu.memory_space<vmem_shared>>
        %dma_wait3A_57 = arith.constant 0 : i32
        %dma_wait3A_58 = tpu.memref_slice %arg8[%add3A_46, %dma_wait3A_57] : memref<10000x128xf32, #tpu.memory_space<vmem_shared>> -> memref<128x128xf32, #tpu.memory_space<vmem_shared>>
        tpu.wait_dma2 semaphore(%run_scoped3A : memref<!tpu.dma_semaphore, #tpu.memory_space<semaphore_mem>>) src(%arg6 : memref<128x128xf32, #tpu.memory_space<vmem>>) dst(%dma_wait3A_58 : memref<128x128xf32, #tpu.memory_space<vmem_shared>>)
        tpu.yield
      }) : () -> ()
      %add3A_47 = arith.constant 256 : i32
      %add3A_48 = arith.addi %mul3A_11, %add3A_47 : i32
      "tpu.region"() ({
        %run_scoped3A = tpu.sem_alloc : memref<!tpu.dma_semaphore, #tpu.memory_space<semaphore_mem>>
        %dma_start3A = arith.constant 0 : i32
        %dma_start3A_53 = tpu.memref_slice %arg8[%add3A_48, %dma_start3A] : memref<10000x128xf32, #tpu.memory_space<vmem_shared>> -> memref<128x128xf32, #tpu.memory_space<vmem_shared>>
        %dma_start3A_54 = arith.constant 0 : i32
        %dma_start3A_55 = tpu.memref_slice %arg8[%add3A_48, %dma_start3A_54] : memref<10000x128xf32, #tpu.memory_space<vmem_shared>> -> memref<128x128xf32, #tpu.memory_space<vmem_shared>>
        tpu.enqueue_dma source(%arg6 : memref<128x128xf32, #tpu.memory_space<vmem>>) target(%dma_start3A_55 : memref<128x128xf32, #tpu.memory_space<vmem_shared>>) target_semaphore(%run_scoped3A : memref<!tpu.dma_semaphore, #tpu.memory_space<semaphore_mem>>)
        %dma_wait3A = arith.constant 0 : i32
        %dma_wait3A_56 = tpu.memref_slice %arg8[%add3A_48, %dma_wait3A] : memref<10000x128xf32, #tpu.memory_space<vmem_shared>> -> memref<128x128xf32, #tpu.memory_space<vmem_shared>>
        %dma_wait3A_57 = arith.constant 0 : i32
        %dma_wait3A_58 = tpu.memref_slice %arg8[%add3A_48, %dma_wait3A_57] : memref<10000x128xf32, #tpu.memory_space<vmem_shared>> -> memref<128x128xf32, #tpu.memory_space<vmem_shared>>
        tpu.wait_dma2 semaphore(%run_scoped3A : memref<!tpu.dma_semaphore, #tpu.memory_space<semaphore_mem>>) src(%arg6 : memref<128x128xf32, #tpu.memory_space<vmem>>) dst(%dma_wait3A_58 : memref<128x128xf32, #tpu.memory_space<vmem_shared>>)
        tpu.yield
      }) : () -> ()
      %add3A_49 = arith.constant 384 : i32
      %add3A_50 = arith.addi %mul3A_11, %add3A_49 : i32
      "tpu.region"() ({
        %run_scoped3A = tpu.sem_alloc : memref<!tpu.dma_semaphore, #tpu.memory_space<semaphore_mem>>
        %dma_start3A = arith.constant 0 : i32
        %dma_start3A_53 = tpu.memref_slice %arg8[%add3A_50, %dma_start3A] : memref<10000x128xf32, #tpu.memory_space<vmem_shared>> -> memref<128x128xf32, #tpu.memory_space<vmem_shared>>
        %dma_start3A_54 = arith.constant 0 : i32
        %dma_start3A_55 = tpu.memref_slice %arg8[%add3A_50, %dma_start3A_54] : memref<10000x128xf32, #tpu.memory_space<vmem_shared>> -> memref<128x128xf32, #tpu.memory_space<vmem_shared>>
        tpu.enqueue_dma source(%arg6 : memref<128x128xf32, #tpu.memory_space<vmem>>) target(%dma_start3A_55 : memref<128x128xf32, #tpu.memory_space<vmem_shared>>) target_semaphore(%run_scoped3A : memref<!tpu.dma_semaphore, #tpu.memory_space<semaphore_mem>>)
        %dma_wait3A = arith.constant 0 : i32
        %dma_wait3A_56 = tpu.memref_slice %arg8[%add3A_50, %dma_wait3A] : memref<10000x128xf32, #tpu.memory_space<vmem_shared>> -> memref<128x128xf32, #tpu.memory_space<vmem_shared>>
        %dma_wait3A_57 = arith.constant 0 : i32
        %dma_wait3A_58 = tpu.memref_slice %arg8[%add3A_50, %dma_wait3A_57] : memref<10000x128xf32, #tpu.memory_space<vmem_shared>> -> memref<128x128xf32, #tpu.memory_space<vmem_shared>>
        tpu.wait_dma2 semaphore(%run_scoped3A : memref<!tpu.dma_semaphore, #tpu.memory_space<semaphore_mem>>) src(%arg6 : memref<128x128xf32, #tpu.memory_space<vmem>>) dst(%dma_wait3A_58 : memref<128x128xf32, #tpu.memory_space<vmem_shared>>)
        tpu.yield
      }) : () -> ()
      %add3A_51 = arith.constant 512 : i32
      %add3A_52 = arith.addi %mul3A_11, %add3A_51 : i32
      "tpu.region"() ({
        %run_scoped3A = tpu.sem_alloc : memref<!tpu.dma_semaphore, #tpu.memory_space<semaphore_mem>>
        %dma_start3A = arith.constant 0 : i32
        %dma_start3A_53 = tpu.memref_slice %arg8[%add3A_52, %dma_start3A] : memref<10000x128xf32, #tpu.memory_space<vmem_shared>> -> memref<128x128xf32, #tpu.memory_space<vmem_shared>>
        %dma_start3A_54 = arith.constant 0 : i32
        %dma_start3A_55 = tpu.memref_slice %arg8[%add3A_52, %dma_start3A_54] : memref<10000x128xf32, #tpu.memory_space<vmem_shared>> -> memref<128x128xf32, #tpu.memory_space<vmem_shared>>
        tpu.enqueue_dma source(%arg6 : memref<128x128xf32, #tpu.memory_space<vmem>>) target(%dma_start3A_55 : memref<128x128xf32, #tpu.memory_space<vmem_shared>>) target_semaphore(%run_scoped3A : memref<!tpu.dma_semaphore, #tpu.memory_space<semaphore_mem>>)
        %dma_wait3A = arith.constant 0 : i32
        %dma_wait3A_56 = tpu.memref_slice %arg8[%add3A_52, %dma_wait3A] : memref<10000x128xf32, #tpu.memory_space<vmem_shared>> -> memref<128x128xf32, #tpu.memory_space<vmem_shared>>
        %dma_wait3A_57 = arith.constant 0 : i32
        %dma_wait3A_58 = tpu.memref_slice %arg8[%add3A_52, %dma_wait3A_57] : memref<10000x128xf32, #tpu.memory_space<vmem_shared>> -> memref<128x128xf32, #tpu.memory_space<vmem_shared>>
        tpu.wait_dma2 semaphore(%run_scoped3A : memref<!tpu.dma_semaphore, #tpu.memory_space<semaphore_mem>>) src(%arg6 : memref<128x128xf32, #tpu.memory_space<vmem>>) dst(%dma_wait3A_58 : memref<128x128xf32, #tpu.memory_space<vmem_shared>>)
        tpu.yield
      }) : () -> ()
    } else {
    }
    %barrier3A = arith.constant 0 : index
    tpu.barrier barrier_id(%barrier3A)
    %gt3A = arith.constant 0 : i32
    %gt3A_18 = arith.cmpi sgt, %min3A_5, %gt3A : i32
    %convert_element_type3A_19 = arith.extui %gt3A_18 : i1 to i32
    %cond3A_20 = arith.constant 0 : i32
    %cond3A_21 = arith.cmpi ne, %convert_element_type3A_19, %cond3A_20 : i32
    scf.if %cond3A_21 {
      %add3A_43 = arith.constant 0 : i32
      %add3A_44 = arith.addi %add3A, %add3A_43 : i32
      %mul3A_45 = arith.constant 128 : i32
      %mul3A_46 = arith.muli %add3A_44, %mul3A_45 : i32
      %dma_start3A = arith.constant 0 : i32
      %dma_start3A_47 = tpu.memref_slice %arg2[%mul3A_46, %dma_start3A] : memref<163840x128xf32, #tpu.memory_space<hbm>> -> memref<128x128xf32, #tpu.memory_space<hbm>>
      %dma_start3A_48 = arith.constant 0 : i32
      %dma_start3A_49 = tpu.memref_slice %arg2[%mul3A_46, %dma_start3A_48] : memref<163840x128xf32, #tpu.memory_space<hbm>> -> memref<128x128xf32, #tpu.memory_space<hbm>>
      tpu.enqueue_dma source(%dma_start3A_49 : memref<128x128xf32, #tpu.memory_space<hbm>>) target(%arg6 : memref<128x128xf32, #tpu.memory_space<vmem>>) target_semaphore(%arg9 : memref<!tpu.dma_semaphore, #tpu.memory_space<semaphore_mem>>)
    } else {
    }
    %gt3A_22 = arith.constant 1 : i32
    %gt3A_23 = arith.cmpi sgt, %min3A_5, %gt3A_22 : i32
    %convert_element_type3A_24 = arith.extui %gt3A_23 : i1 to i32
    %cond3A_25 = arith.constant 0 : i32
    %cond3A_26 = arith.cmpi ne, %convert_element_type3A_24, %cond3A_25 : i32
    scf.if %cond3A_26 {
      %add3A_43 = arith.constant 1 : i32
      %add3A_44 = arith.addi %add3A, %add3A_43 : i32
      %mul3A_45 = arith.constant 128 : i32
      %mul3A_46 = arith.muli %add3A_44, %mul3A_45 : i32
      %dma_start3A = arith.constant 0 : i32
      %dma_start3A_47 = tpu.memref_slice %arg2[%mul3A_46, %dma_start3A] : memref<163840x128xf32, #tpu.memory_space<hbm>> -> memref<128x128xf32, #tpu.memory_space<hbm>>
      %dma_start3A_48 = arith.constant 0 : i32
      %dma_start3A_49 = tpu.memref_slice %arg2[%mul3A_46, %dma_start3A_48] : memref<163840x128xf32, #tpu.memory_space<hbm>> -> memref<128x128xf32, #tpu.memory_space<hbm>>
      tpu.enqueue_dma source(%dma_start3A_49 : memref<128x128xf32, #tpu.memory_space<hbm>>) target(%arg7 : memref<128x128xf32, #tpu.memory_space<vmem>>) target_semaphore(%arg10 : memref<!tpu.dma_semaphore, #tpu.memory_space<semaphore_mem>>)
    } else {
    }
    %scan3A_27 = arith.constant 0 : i32
    %scan3A_28 = arith.constant 20 : i32
    %scan3A_29 = arith.addi %scan3A_27, %scan3A_28 : i32
    %scan3A_30 = arith.constant 1 : i32
    scf.for %scan3A_43 = %scan3A_27 to %scan3A_29 step %scan3A_30  : i32 {
      %mul3A_44 = arith.constant 1 : i32
      %mul3A_45 = arith.muli %scan3A_43, %mul3A_44 : i32
      %add3A_46 = arith.constant 0 : i32
      %add3A_47 = arith.addi %add3A_46, %mul3A_45 : i32
      %mul3A_48 = arith.constant 2 : i32
      %mul3A_49 = arith.muli %mul3A_48, %add3A_47 : i32
      %add3A_50 = arith.constant 0 : i32
      %add3A_51 = arith.addi %mul3A_49, %add3A_50 : i32
      %lt3A_52 = arith.cmpi slt, %add3A_51, %min3A_5 : i32
      %convert_element_type3A_53 = arith.extui %lt3A_52 : i1 to i32
      %cond3A_54 = arith.constant 0 : i32
      %cond3A_55 = arith.cmpi ne, %convert_element_type3A_53, %cond3A_54 : i32
      scf.if %cond3A_55 {
        %add3A_64 = arith.addi %add3A, %add3A_51 : i32
        %mul3A_65 = arith.constant 128 : i32
        %mul3A_66 = arith.muli %add3A_64, %mul3A_65 : i32
        %dma_wait3A = arith.constant 0 : i32
        %dma_wait3A_67 = tpu.memref_slice %arg2[%mul3A_66, %dma_wait3A] : memref<163840x128xf32, #tpu.memory_space<hbm>> -> memref<128x128xf32, #tpu.memory_space<hbm>>
        %dma_wait3A_68 = arith.constant 0 : i32
        %dma_wait3A_69 = tpu.memref_slice %arg2[%mul3A_66, %dma_wait3A_68] : memref<163840x128xf32, #tpu.memory_space<hbm>> -> memref<128x128xf32, #tpu.memory_space<hbm>>
        tpu.wait_dma2 semaphore(%arg9 : memref<!tpu.dma_semaphore, #tpu.memory_space<semaphore_mem>>) src(%dma_wait3A_69 : memref<128x128xf32, #tpu.memory_space<hbm>>) dst(%arg6 : memref<128x128xf32, #tpu.memory_space<vmem>>)
        "tpu.region"() ({
          %run_scoped3A = tpu.sem_alloc : memref<!tpu.dma_semaphore, #tpu.memory_space<semaphore_mem>>
          %dma_start3A = arith.constant 0 : i32
          %dma_start3A_76 = tpu.memref_slice %arg5[%add3A_51, %dma_start3A] : memref<40x128xi32, #tpu.memory_space<vmem>> -> memref<1x128xi32, #tpu.memory_space<vmem>>
          %dma_start3A_77 = tpu.memref_squeeze %dma_start3A_76 : memref<1x128xi32, #tpu.memory_space<vmem>> -> memref<128xi32, #tpu.memory_space<vmem>>
          %dma_start3A_78 = arith.constant 0 : i32
          %dma_start3A_79 = arith.constant 0 : i32
          %dma_start3A_80 = tpu.memref_slice %arg8[%dma_start3A_78, %dma_start3A_79] : memref<10000x128xf32, #tpu.memory_space<vmem_shared>> -> memref<10000x128xf32, #tpu.memory_space<vmem_shared>>
          tpu.enqueue_indirect_dma source(%arg6 : memref<128x128xf32, #tpu.memory_space<vmem>>) target(%dma_start3A_80 : memref<10000x128xf32, #tpu.memory_space<vmem_shared>>) offsets(%dma_start3A_77 : memref<128xi32, #tpu.memory_space<vmem>>) semaphore(%run_scoped3A : memref<!tpu.dma_semaphore, #tpu.memory_space<semaphore_mem>>) {add = true}
          %dma_wait3A_81 = arith.constant 0 : i32
          %dma_wait3A_82 = tpu.memref_slice %arg5[%add3A_51, %dma_wait3A_81] : memref<40x128xi32, #tpu.memory_space<vmem>> -> memref<1x128xi32, #tpu.memory_space<vmem>>
          %dma_wait3A_83 = tpu.memref_squeeze %dma_wait3A_82 : memref<1x128xi32, #tpu.memory_space<vmem>> -> memref<128xi32, #tpu.memory_space<vmem>>
          %dma_wait3A_84 = arith.constant 0 : i32
          %dma_wait3A_85 = arith.constant 0 : i32
          %dma_wait3A_86 = tpu.memref_slice %arg8[%dma_wait3A_84, %dma_wait3A_85] : memref<10000x128xf32, #tpu.memory_space<vmem_shared>> -> memref<10000x128xf32, #tpu.memory_space<vmem_shared>>
          tpu.wait_indirect_dma semaphore(%run_scoped3A : memref<!tpu.dma_semaphore, #tpu.memory_space<semaphore_mem>>) src(%arg6 : memref<128x128xf32, #tpu.memory_space<vmem>>) dst(%dma_wait3A_86 : memref<10000x128xf32, #tpu.memory_space<vmem_shared>>)
          tpu.yield
        }) : () -> ()
        %add3A_70 = arith.constant 2 : i32
        %add3A_71 = arith.addi %add3A_51, %add3A_70 : i32
        %lt3A_72 = arith.cmpi slt, %add3A_71, %min3A_5 : i32
        %convert_element_type3A_73 = arith.extui %lt3A_72 : i1 to i32
        %cond3A_74 = arith.constant 0 : i32
        %cond3A_75 = arith.cmpi ne, %convert_element_type3A_73, %cond3A_74 : i32
        scf.if %cond3A_75 {
          %add3A_76 = arith.addi %add3A, %add3A_51 : i32
          %add3A_77 = arith.constant 2 : i32
          %add3A_78 = arith.addi %add3A_76, %add3A_77 : i32
          %mul3A_79 = arith.constant 128 : i32
          %mul3A_80 = arith.muli %add3A_78, %mul3A_79 : i32
          %dma_start3A = arith.constant 0 : i32
          %dma_start3A_81 = tpu.memref_slice %arg2[%mul3A_80, %dma_start3A] : memref<163840x128xf32, #tpu.memory_space<hbm>> -> memref<128x128xf32, #tpu.memory_space<hbm>>
          %dma_start3A_82 = arith.constant 0 : i32
          %dma_start3A_83 = tpu.memref_slice %arg2[%mul3A_80, %dma_start3A_82] : memref<163840x128xf32, #tpu.memory_space<hbm>> -> memref<128x128xf32, #tpu.memory_space<hbm>>
          tpu.enqueue_dma source(%dma_start3A_83 : memref<128x128xf32, #tpu.memory_space<hbm>>) target(%arg6 : memref<128x128xf32, #tpu.memory_space<vmem>>) target_semaphore(%arg9 : memref<!tpu.dma_semaphore, #tpu.memory_space<semaphore_mem>>)
        } else {
        }
      } else {
      }
      %mul3A_56 = arith.constant 2 : i32
      %mul3A_57 = arith.muli %mul3A_56, %add3A_47 : i32
      %add3A_58 = arith.constant 1 : i32
      %add3A_59 = arith.addi %mul3A_57, %add3A_58 : i32
      %lt3A_60 = arith.cmpi slt, %add3A_59, %min3A_5 : i32
      %convert_element_type3A_61 = arith.extui %lt3A_60 : i1 to i32
      %cond3A_62 = arith.constant 0 : i32
      %cond3A_63 = arith.cmpi ne, %convert_element_type3A_61, %cond3A_62 : i32
      scf.if %cond3A_63 {
        %add3A_64 = arith.addi %add3A, %add3A_59 : i32
        %mul3A_65 = arith.constant 128 : i32
        %mul3A_66 = arith.muli %add3A_64, %mul3A_65 : i32
        %dma_wait3A = arith.constant 0 : i32
        %dma_wait3A_67 = tpu.memref_slice %arg2[%mul3A_66, %dma_wait3A] : memref<163840x128xf32, #tpu.memory_space<hbm>> -> memref<128x128xf32, #tpu.memory_space<hbm>>
        %dma_wait3A_68 = arith.constant 0 : i32
        %dma_wait3A_69 = tpu.memref_slice %arg2[%mul3A_66, %dma_wait3A_68] : memref<163840x128xf32, #tpu.memory_space<hbm>> -> memref<128x128xf32, #tpu.memory_space<hbm>>
        tpu.wait_dma2 semaphore(%arg10 : memref<!tpu.dma_semaphore, #tpu.memory_space<semaphore_mem>>) src(%dma_wait3A_69 : memref<128x128xf32, #tpu.memory_space<hbm>>) dst(%arg7 : memref<128x128xf32, #tpu.memory_space<vmem>>)
        "tpu.region"() ({
          %run_scoped3A = tpu.sem_alloc : memref<!tpu.dma_semaphore, #tpu.memory_space<semaphore_mem>>
          %dma_start3A = arith.constant 0 : i32
          %dma_start3A_76 = tpu.memref_slice %arg5[%add3A_59, %dma_start3A] : memref<40x128xi32, #tpu.memory_space<vmem>> -> memref<1x128xi32, #tpu.memory_space<vmem>>
          %dma_start3A_77 = tpu.memref_squeeze %dma_start3A_76 : memref<1x128xi32, #tpu.memory_space<vmem>> -> memref<128xi32, #tpu.memory_space<vmem>>
          %dma_start3A_78 = arith.constant 0 : i32
          %dma_start3A_79 = arith.constant 0 : i32
          %dma_start3A_80 = tpu.memref_slice %arg8[%dma_start3A_78, %dma_start3A_79] : memref<10000x128xf32, #tpu.memory_space<vmem_shared>> -> memref<10000x128xf32, #tpu.memory_space<vmem_shared>>
          tpu.enqueue_indirect_dma source(%arg7 : memref<128x128xf32, #tpu.memory_space<vmem>>) target(%dma_start3A_80 : memref<10000x128xf32, #tpu.memory_space<vmem_shared>>) offsets(%dma_start3A_77 : memref<128xi32, #tpu.memory_space<vmem>>) semaphore(%run_scoped3A : memref<!tpu.dma_semaphore, #tpu.memory_space<semaphore_mem>>) {add = true}
          %dma_wait3A_81 = arith.constant 0 : i32
          %dma_wait3A_82 = tpu.memref_slice %arg5[%add3A_59, %dma_wait3A_81] : memref<40x128xi32, #tpu.memory_space<vmem>> -> memref<1x128xi32, #tpu.memory_space<vmem>>
          %dma_wait3A_83 = tpu.memref_squeeze %dma_wait3A_82 : memref<1x128xi32, #tpu.memory_space<vmem>> -> memref<128xi32, #tpu.memory_space<vmem>>
          %dma_wait3A_84 = arith.constant 0 : i32
          %dma_wait3A_85 = arith.constant 0 : i32
          %dma_wait3A_86 = tpu.memref_slice %arg8[%dma_wait3A_84, %dma_wait3A_85] : memref<10000x128xf32, #tpu.memory_space<vmem_shared>> -> memref<10000x128xf32, #tpu.memory_space<vmem_shared>>
          tpu.wait_indirect_dma semaphore(%run_scoped3A : memref<!tpu.dma_semaphore, #tpu.memory_space<semaphore_mem>>) src(%arg7 : memref<128x128xf32, #tpu.memory_space<vmem>>) dst(%dma_wait3A_86 : memref<10000x128xf32, #tpu.memory_space<vmem_shared>>)
          tpu.yield
        }) : () -> ()
        %add3A_70 = arith.constant 2 : i32
        %add3A_71 = arith.addi %add3A_59, %add3A_70 : i32
        %lt3A_72 = arith.cmpi slt, %add3A_71, %min3A_5 : i32
        %convert_element_type3A_73 = arith.extui %lt3A_72 : i1 to i32
        %cond3A_74 = arith.constant 0 : i32
        %cond3A_75 = arith.cmpi ne, %convert_element_type3A_73, %cond3A_74 : i32
        scf.if %cond3A_75 {
          %add3A_76 = arith.addi %add3A, %add3A_59 : i32
          %add3A_77 = arith.constant 2 : i32
          %add3A_78 = arith.addi %add3A_76, %add3A_77 : i32
          %mul3A_79 = arith.constant 128 : i32
          %mul3A_80 = arith.muli %add3A_78, %mul3A_79 : i32
          %dma_start3A = arith.constant 0 : i32
          %dma_start3A_81 = tpu.memref_slice %arg2[%mul3A_80, %dma_start3A] : memref<163840x128xf32, #tpu.memory_space<hbm>> -> memref<128x128xf32, #tpu.memory_space<hbm>>
          %dma_start3A_82 = arith.constant 0 : i32
          %dma_start3A_83 = tpu.memref_slice %arg2[%mul3A_80, %dma_start3A_82] : memref<163840x128xf32, #tpu.memory_space<hbm>> -> memref<128x128xf32, #tpu.memory_space<hbm>>
          tpu.enqueue_dma source(%dma_start3A_83 : memref<128x128xf32, #tpu.memory_space<hbm>>) target(%arg7 : memref<128x128xf32, #tpu.memory_space<vmem>>) target_semaphore(%arg10 : memref<!tpu.dma_semaphore, #tpu.memory_space<semaphore_mem>>)
        } else {
        }
      } else {
      }
    }
    %scan3A_31 = arith.constant 20 : i32
    %barrier3A_32 = arith.constant 0 : index
    tpu.barrier barrier_id(%barrier3A_32)
    %lt3A_33 = arith.constant 15 : i32
    %lt3A_34 = arith.cmpi slt, %arg1, %lt3A_33 : i32
    %convert_element_type3A_35 = arith.extui %lt3A_34 : i1 to i32
    %cond3A_36 = arith.constant 0 : i32
    %cond3A_37 = arith.cmpi ne, %convert_element_type3A_35, %cond3A_36 : i32
    scf.if %cond3A_37 {
      %mul3A_43 = arith.constant 624 : i32
      %mul3A_44 = arith.muli %arg1, %mul3A_43 : i32
      %mul3A_45 = arith.constant 624 : i32
      %mul3A_46 = arith.muli %arg1, %mul3A_45 : i32
      "tpu.region"() ({
        %run_scoped3A = tpu.sem_alloc : memref<!tpu.dma_semaphore, #tpu.memory_space<semaphore_mem>>
        %dma_start3A = arith.constant 0 : i32
        %dma_start3A_47 = tpu.memref_slice %arg4[%arg0, %mul3A_46, %dma_start3A] : memref<2x10000x128xf32, #tpu.memory_space<hbm>> -> memref<1x624x128xf32, #tpu.memory_space<hbm>>
        %dma_start3A_48 = tpu.memref_squeeze %dma_start3A_47 : memref<1x624x128xf32, #tpu.memory_space<hbm>> -> memref<624x128xf32, #tpu.memory_space<hbm>>
        %dma_start3A_49 = arith.constant 0 : i32
        %dma_start3A_50 = tpu.memref_slice %arg8[%mul3A_44, %dma_start3A_49] : memref<10000x128xf32, #tpu.memory_space<vmem_shared>> -> memref<624x128xf32, #tpu.memory_space<vmem_shared>>
        tpu.enqueue_dma source(%dma_start3A_50 : memref<624x128xf32, #tpu.memory_space<vmem_shared>>) target(%dma_start3A_48 : memref<624x128xf32, #tpu.memory_space<hbm>>) target_semaphore(%run_scoped3A : memref<!tpu.dma_semaphore, #tpu.memory_space<semaphore_mem>>)
        %dma_wait3A = arith.constant 0 : i32
        %dma_wait3A_51 = tpu.memref_slice %arg4[%arg0, %mul3A_46, %dma_wait3A] : memref<2x10000x128xf32, #tpu.memory_space<hbm>> -> memref<1x624x128xf32, #tpu.memory_space<hbm>>
        %dma_wait3A_52 = tpu.memref_squeeze %dma_wait3A_51 : memref<1x624x128xf32, #tpu.memory_space<hbm>> -> memref<624x128xf32, #tpu.memory_space<hbm>>
        %dma_wait3A_53 = arith.constant 0 : i32
        %dma_wait3A_54 = tpu.memref_slice %arg8[%mul3A_44, %dma_wait3A_53] : memref<10000x128xf32, #tpu.memory_space<vmem_shared>> -> memref<624x128xf32, #tpu.memory_space<vmem_shared>>
        tpu.wait_dma2 semaphore(%run_scoped3A : memref<!tpu.dma_semaphore, #tpu.memory_space<semaphore_mem>>) src(%dma_wait3A_54 : memref<624x128xf32, #tpu.memory_space<vmem_shared>>) dst(%dma_wait3A_52 : memref<624x128xf32, #tpu.memory_space<hbm>>)
        tpu.yield
      }) : () -> ()
    } else {
    }
    %eq3A_38 = arith.constant 15 : i32
    %eq3A_39 = arith.cmpi eq, %arg1, %eq3A_38 : i32
    %convert_element_type3A_40 = arith.extui %eq3A_39 : i1 to i32
    %cond3A_41 = arith.constant 0 : i32
    %cond3A_42 = arith.cmpi ne, %convert_element_type3A_40, %cond3A_41 : i32
    scf.if %cond3A_42 {
      %mul3A_43 = arith.constant 624 : i32
      %mul3A_44 = arith.muli %arg1, %mul3A_43 : i32
      %mul3A_45 = arith.constant 624 : i32
      %mul3A_46 = arith.muli %arg1, %mul3A_45 : i32
      "tpu.region"() ({
        %run_scoped3A = tpu.sem_alloc : memref<!tpu.dma_semaphore, #tpu.memory_space<semaphore_mem>>
        %dma_start3A = arith.constant 0 : i32
        %dma_start3A_47 = tpu.memref_slice %arg4[%arg0, %mul3A_46, %dma_start3A] : memref<2x10000x128xf32, #tpu.memory_space<hbm>> -> memref<1x640x128xf32, #tpu.memory_space<hbm>>
        %dma_start3A_48 = tpu.memref_squeeze %dma_start3A_47 : memref<1x640x128xf32, #tpu.memory_space<hbm>> -> memref<640x128xf32, #tpu.memory_space<hbm>>
        %dma_start3A_49 = arith.constant 0 : i32
        %dma_start3A_50 = tpu.memref_slice %arg8[%mul3A_44, %dma_start3A_49] : memref<10000x128xf32, #tpu.memory_space<vmem_shared>> -> memref<640x128xf32, #tpu.memory_space<vmem_shared>>
        tpu.enqueue_dma source(%dma_start3A_50 : memref<640x128xf32, #tpu.memory_space<vmem_shared>>) target(%dma_start3A_48 : memref<640x128xf32, #tpu.memory_space<hbm>>) target_semaphore(%run_scoped3A : memref<!tpu.dma_semaphore, #tpu.memory_space<semaphore_mem>>)
        %dma_wait3A = arith.constant 0 : i32
        %dma_wait3A_51 = tpu.memref_slice %arg4[%arg0, %mul3A_46, %dma_wait3A] : memref<2x10000x128xf32, #tpu.memory_space<hbm>> -> memref<1x640x128xf32, #tpu.memory_space<hbm>>
        %dma_wait3A_52 = tpu.memref_squeeze %dma_wait3A_51 : memref<1x640x128xf32, #tpu.memory_space<hbm>> -> memref<640x128xf32, #tpu.memory_space<hbm>>
        %dma_wait3A_53 = arith.constant 0 : i32
        %dma_wait3A_54 = tpu.memref_slice %arg8[%mul3A_44, %dma_wait3A_53] : memref<10000x128xf32, #tpu.memory_space<vmem_shared>> -> memref<640x128xf32, #tpu.memory_space<vmem_shared>>
        tpu.wait_dma2 semaphore(%run_scoped3A : memref<!tpu.dma_semaphore, #tpu.memory_space<semaphore_mem>>) src(%dma_wait3A_54 : memref<640x128xf32, #tpu.memory_space<vmem_shared>>) dst(%dma_wait3A_52 : memref<640x128xf32, #tpu.memory_space<hbm>>)
        tpu.yield
      }) : () -> ()
    } else {
    }
    return
  }
}

#map = affine_map<(d0, d1) -> (0, 0)>
module attributes {stable_mosaic.version = 14 : i64} {
  func.func @run(%arg0: i32, %arg1: i32, %arg2: memref<10000x128xf32, #tpu.memory_space<hbm>>, %arg3: memref<10000x128xf32, #tpu.memory_space<hbm>>, %arg4: memref<1280x128xi32, #tpu.memory_space<hbm>>, %arg5: memref<1280x128xi32, #tpu.memory_space<hbm>>, %arg6: memref<163840x128xf32, #tpu.memory_space<hbm>>, %arg7: memref<163840x128xf32, #tpu.memory_space<hbm>>, %arg8: memref<40x128xi32, #tpu.memory_space<vmem>>, %arg9: memref<40x128xi32, #tpu.memory_space<vmem>>, %arg10: memref<128x128xf32, #tpu.memory_space<vmem>>, %arg11: memref<128x128xf32, #tpu.memory_space<vmem>>, %arg12: memref<128x128xf32, #tpu.memory_space<vmem>>, %arg13: memref<128x128xf32, #tpu.memory_space<vmem>>, %arg14: memref<128x128xf32, #tpu.memory_space<vmem>>, %arg15: memref<128x128xf32, #tpu.memory_space<vmem>>, %arg16: memref<!tpu.dma_semaphore, #tpu.memory_space<semaphore_mem>>, %arg17: memref<!tpu.dma_semaphore, #tpu.memory_space<semaphore_mem>>, %arg18: memref<!tpu.dma_semaphore, #tpu.memory_space<semaphore_mem>>, %arg19: memref<!tpu.dma_semaphore, #tpu.memory_space<semaphore_mem>>, %arg20: memref<!tpu.dma_semaphore, #tpu.memory_space<semaphore_mem>>, %arg21: memref<!tpu.dma_semaphore, #tpu.memory_space<semaphore_mem>>) attributes {dimension_semantics = [#tpu.dimension_semantics<core_parallel>, #tpu.dimension_semantics<subcore_parallel>], iteration_bounds = array<i64: 2, 16>, scalar_prefetch = 0 : i64, scratch_operands = 14 : i64, tpu.core_type = #tpu.core_type<sc_vector_subcore>, window_params = [{transform_indices = #map}, {transform_indices = #map}, {transform_indices = #map}, {transform_indices = #map}, {transform_indices = #map}, {transform_indices = #map}]} {
    %mul3A = arith.constant 2 : i32
    %mul3A_0 = arith.muli %arg1, %mul3A : i32
    %add3A = arith.addi %mul3A_0, %arg0 : i32
    %mul3A_1 = arith.constant 40 : i32
    %mul3A_2 = arith.muli %add3A, %mul3A_1 : i32
    %sub3A = arith.constant 1250 : i32
    %sub3A_3 = arith.subi %sub3A, %mul3A_2 : i32
    %max3A = arith.constant 0 : i32
    %max3A_4 = arith.maxsi %sub3A_3, %max3A : i32
    %min3A = arith.constant 40 : i32
    %min3A_5 = arith.minsi %max3A_4, %min3A : i32
    "tpu.region"() ({
      %run_scoped3A = tpu.sem_alloc : memref<!tpu.dma_semaphore, #tpu.memory_space<semaphore_mem>>
      %dma_start3A = arith.constant 0 : i32
      %dma_start3A_22 = tpu.memref_slice %arg4[%mul3A_2, %dma_start3A] : memref<1280x128xi32, #tpu.memory_space<hbm>> -> memref<40x128xi32, #tpu.memory_space<hbm>>
      %dma_start3A_23 = arith.constant 0 : i32
      %dma_start3A_24 = tpu.memref_slice %arg4[%mul3A_2, %dma_start3A_23] : memref<1280x128xi32, #tpu.memory_space<hbm>> -> memref<40x128xi32, #tpu.memory_space<hbm>>
      tpu.enqueue_dma source(%dma_start3A_24 : memref<40x128xi32, #tpu.memory_space<hbm>>) target(%arg8 : memref<40x128xi32, #tpu.memory_space<vmem>>) target_semaphore(%run_scoped3A : memref<!tpu.dma_semaphore, #tpu.memory_space<semaphore_mem>>)
      %dma_wait3A = arith.constant 0 : i32
      %dma_wait3A_25 = tpu.memref_slice %arg4[%mul3A_2, %dma_wait3A] : memref<1280x128xi32, #tpu.memory_space<hbm>> -> memref<40x128xi32, #tpu.memory_space<hbm>>
      %dma_wait3A_26 = arith.constant 0 : i32
      %dma_wait3A_27 = tpu.memref_slice %arg4[%mul3A_2, %dma_wait3A_26] : memref<1280x128xi32, #tpu.memory_space<hbm>> -> memref<40x128xi32, #tpu.memory_space<hbm>>
      tpu.wait_dma2 semaphore(%run_scoped3A : memref<!tpu.dma_semaphore, #tpu.memory_space<semaphore_mem>>) src(%dma_wait3A_27 : memref<40x128xi32, #tpu.memory_space<hbm>>) dst(%arg8 : memref<40x128xi32, #tpu.memory_space<vmem>>)
      tpu.yield
    }) : () -> ()
    "tpu.region"() ({
      %run_scoped3A = tpu.sem_alloc : memref<!tpu.dma_semaphore, #tpu.memory_space<semaphore_mem>>
      %dma_start3A = arith.constant 0 : i32
      %dma_start3A_22 = tpu.memref_slice %arg5[%mul3A_2, %dma_start3A] : memref<1280x128xi32, #tpu.memory_space<hbm>> -> memref<40x128xi32, #tpu.memory_space<hbm>>
      %dma_start3A_23 = arith.constant 0 : i32
      %dma_start3A_24 = tpu.memref_slice %arg5[%mul3A_2, %dma_start3A_23] : memref<1280x128xi32, #tpu.memory_space<hbm>> -> memref<40x128xi32, #tpu.memory_space<hbm>>
      tpu.enqueue_dma source(%dma_start3A_24 : memref<40x128xi32, #tpu.memory_space<hbm>>) target(%arg9 : memref<40x128xi32, #tpu.memory_space<vmem>>) target_semaphore(%run_scoped3A : memref<!tpu.dma_semaphore, #tpu.memory_space<semaphore_mem>>)
      %dma_wait3A = arith.constant 0 : i32
      %dma_wait3A_25 = tpu.memref_slice %arg5[%mul3A_2, %dma_wait3A] : memref<1280x128xi32, #tpu.memory_space<hbm>> -> memref<40x128xi32, #tpu.memory_space<hbm>>
      %dma_wait3A_26 = arith.constant 0 : i32
      %dma_wait3A_27 = tpu.memref_slice %arg5[%mul3A_2, %dma_wait3A_26] : memref<1280x128xi32, #tpu.memory_space<hbm>> -> memref<40x128xi32, #tpu.memory_space<hbm>>
      tpu.wait_dma2 semaphore(%run_scoped3A : memref<!tpu.dma_semaphore, #tpu.memory_space<semaphore_mem>>) src(%dma_wait3A_27 : memref<40x128xi32, #tpu.memory_space<hbm>>) dst(%arg9 : memref<40x128xi32, #tpu.memory_space<vmem>>)
      tpu.yield
    }) : () -> ()
    %scan3A = arith.constant 0 : i32
    %scan3A_6 = arith.constant 14 : i32
    %scan3A_7 = arith.addi %scan3A, %scan3A_6 : i32
    %scan3A_8 = arith.constant 1 : i32
    scf.for %scan3A_22 = %scan3A to %scan3A_7 step %scan3A_8  : i32 {
      %mul3A_23 = arith.constant 1 : i32
      %mul3A_24 = arith.muli %scan3A_22, %mul3A_23 : i32
      %add3A_25 = arith.constant 0 : i32
      %add3A_26 = arith.addi %add3A_25, %mul3A_24 : i32
      %mul3A_27 = arith.constant 3 : i32
      %mul3A_28 = arith.muli %add3A_26, %mul3A_27 : i32
      %add3A_29 = arith.constant 0 : i32
      %add3A_30 = arith.addi %mul3A_28, %add3A_29 : i32
      %lt3A = arith.cmpi slt, %add3A_30, %min3A_5 : i32
      %convert_element_type3A_31 = arith.extui %lt3A : i1 to i32
      %cond3A_32 = arith.constant 0 : i32
      %cond3A_33 = arith.cmpi ne, %convert_element_type3A_31, %cond3A_32 : i32
      scf.if %cond3A_33 {
        %gt3A_74 = arith.constant 0 : i32
        %gt3A_75 = arith.cmpi sgt, %add3A_26, %gt3A_74 : i32
        %convert_element_type3A_76 = arith.extui %gt3A_75 : i1 to i32
        %cond3A_77 = arith.constant 0 : i32
        %cond3A_78 = arith.cmpi ne, %convert_element_type3A_76, %cond3A_77 : i32
        scf.if %cond3A_78 {
          %add3A_90 = arith.addi %mul3A_2, %add3A_30 : i32
          %sub3A_91 = arith.constant 3 : i32
          %sub3A_92 = arith.subi %add3A_90, %sub3A_91 : i32
          %mul3A_93 = arith.constant 128 : i32
          %mul3A_94 = arith.muli %sub3A_92, %mul3A_93 : i32
          %dma_wait3A = arith.constant 0 : i32
          %dma_wait3A_95 = tpu.memref_slice %arg6[%mul3A_94, %dma_wait3A] : memref<163840x128xf32, #tpu.memory_space<hbm>> -> memref<128x128xf32, #tpu.memory_space<hbm>>
          %dma_wait3A_96 = arith.constant 0 : i32
          %dma_wait3A_97 = tpu.memref_slice %arg6[%mul3A_94, %dma_wait3A_96] : memref<163840x128xf32, #tpu.memory_space<hbm>> -> memref<128x128xf32, #tpu.memory_space<hbm>>
          tpu.wait_dma2 semaphore(%arg19 : memref<!tpu.dma_semaphore, #tpu.memory_space<semaphore_mem>>) src(%arg10 : memref<128x128xf32, #tpu.memory_space<vmem>>) dst(%dma_wait3A_97 : memref<128x128xf32, #tpu.memory_space<hbm>>)
          %dma_wait3A_98 = arith.constant 0 : i32
          %dma_wait3A_99 = tpu.memref_slice %arg7[%mul3A_94, %dma_wait3A_98] : memref<163840x128xf32, #tpu.memory_space<hbm>> -> memref<128x128xf32, #tpu.memory_space<hbm>>
          %dma_wait3A_100 = arith.constant 0 : i32
          %dma_wait3A_101 = tpu.memref_slice %arg7[%mul3A_94, %dma_wait3A_100] : memref<163840x128xf32, #tpu.memory_space<hbm>> -> memref<128x128xf32, #tpu.memory_space<hbm>>
          tpu.wait_dma2 semaphore(%arg19 : memref<!tpu.dma_semaphore, #tpu.memory_space<semaphore_mem>>) src(%arg13 : memref<128x128xf32, #tpu.memory_space<vmem>>) dst(%dma_wait3A_101 : memref<128x128xf32, #tpu.memory_space<hbm>>)
        } else {
        }
        %dma_start3A = arith.constant 0 : i32
        %dma_start3A_79 = tpu.memref_slice %arg8[%add3A_30, %dma_start3A] : memref<40x128xi32, #tpu.memory_space<vmem>> -> memref<1x128xi32, #tpu.memory_space<vmem>>
        %dma_start3A_80 = tpu.memref_squeeze %dma_start3A_79 : memref<1x128xi32, #tpu.memory_space<vmem>> -> memref<128xi32, #tpu.memory_space<vmem>>
        %dma_start3A_81 = arith.constant 0 : i32
        %dma_start3A_82 = arith.constant 0 : i32
        %dma_start3A_83 = tpu.memref_slice %arg2[%dma_start3A_81, %dma_start3A_82] : memref<10000x128xf32, #tpu.memory_space<hbm>> -> memref<10000x128xf32, #tpu.memory_space<hbm>>
        tpu.enqueue_indirect_dma source(%dma_start3A_83 : memref<10000x128xf32, #tpu.memory_space<hbm>>) target(%arg10 : memref<128x128xf32, #tpu.memory_space<vmem>>) offsets(%dma_start3A_80 : memref<128xi32, #tpu.memory_space<vmem>>) semaphore(%arg16 : memref<!tpu.dma_semaphore, #tpu.memory_space<semaphore_mem>>)
        %dma_start3A_84 = arith.constant 0 : i32
        %dma_start3A_85 = tpu.memref_slice %arg9[%add3A_30, %dma_start3A_84] : memref<40x128xi32, #tpu.memory_space<vmem>> -> memref<1x128xi32, #tpu.memory_space<vmem>>
        %dma_start3A_86 = tpu.memref_squeeze %dma_start3A_85 : memref<1x128xi32, #tpu.memory_space<vmem>> -> memref<128xi32, #tpu.memory_space<vmem>>
        %dma_start3A_87 = arith.constant 0 : i32
        %dma_start3A_88 = arith.constant 0 : i32
        %dma_start3A_89 = tpu.memref_slice %arg3[%dma_start3A_87, %dma_start3A_88] : memref<10000x128xf32, #tpu.memory_space<hbm>> -> memref<10000x128xf32, #tpu.memory_space<hbm>>
        tpu.enqueue_indirect_dma source(%dma_start3A_89 : memref<10000x128xf32, #tpu.memory_space<hbm>>) target(%arg13 : memref<128x128xf32, #tpu.memory_space<vmem>>) offsets(%dma_start3A_86 : memref<128xi32, #tpu.memory_space<vmem>>) semaphore(%arg16 : memref<!tpu.dma_semaphore, #tpu.memory_space<semaphore_mem>>)
      } else {
      }
      %mul3A_34 = arith.constant 3 : i32
      %mul3A_35 = arith.muli %add3A_26, %mul3A_34 : i32
      %add3A_36 = arith.constant 1 : i32
      %add3A_37 = arith.addi %mul3A_35, %add3A_36 : i32
      %lt3A_38 = arith.cmpi slt, %add3A_37, %min3A_5 : i32
      %convert_element_type3A_39 = arith.extui %lt3A_38 : i1 to i32
      %cond3A_40 = arith.constant 0 : i32
      %cond3A_41 = arith.cmpi ne, %convert_element_type3A_39, %cond3A_40 : i32
      scf.if %cond3A_41 {
        %gt3A_74 = arith.constant 0 : i32
        %gt3A_75 = arith.cmpi sgt, %add3A_26, %gt3A_74 : i32
        %convert_element_type3A_76 = arith.extui %gt3A_75 : i1 to i32
        %cond3A_77 = arith.constant 0 : i32
        %cond3A_78 = arith.cmpi ne, %convert_element_type3A_76, %cond3A_77 : i32
        scf.if %cond3A_78 {
          %add3A_90 = arith.addi %mul3A_2, %add3A_37 : i32
          %sub3A_91 = arith.constant 3 : i32
          %sub3A_92 = arith.subi %add3A_90, %sub3A_91 : i32
          %mul3A_93 = arith.constant 128 : i32
          %mul3A_94 = arith.muli %sub3A_92, %mul3A_93 : i32
          %dma_wait3A = arith.constant 0 : i32
          %dma_wait3A_95 = tpu.memref_slice %arg6[%mul3A_94, %dma_wait3A] : memref<163840x128xf32, #tpu.memory_space<hbm>> -> memref<128x128xf32, #tpu.memory_space<hbm>>
          %dma_wait3A_96 = arith.constant 0 : i32
          %dma_wait3A_97 = tpu.memref_slice %arg6[%mul3A_94, %dma_wait3A_96] : memref<163840x128xf32, #tpu.memory_space<hbm>> -> memref<128x128xf32, #tpu.memory_space<hbm>>
          tpu.wait_dma2 semaphore(%arg20 : memref<!tpu.dma_semaphore, #tpu.memory_space<semaphore_mem>>) src(%arg11 : memref<128x128xf32, #tpu.memory_space<vmem>>) dst(%dma_wait3A_97 : memref<128x128xf32, #tpu.memory_space<hbm>>)
          %dma_wait3A_98 = arith.constant 0 : i32
          %dma_wait3A_99 = tpu.memref_slice %arg7[%mul3A_94, %dma_wait3A_98] : memref<163840x128xf32, #tpu.memory_space<hbm>> -> memref<128x128xf32, #tpu.memory_space<hbm>>
          %dma_wait3A_100 = arith.constant 0 : i32
          %dma_wait3A_101 = tpu.memref_slice %arg7[%mul3A_94, %dma_wait3A_100] : memref<163840x128xf32, #tpu.memory_space<hbm>> -> memref<128x128xf32, #tpu.memory_space<hbm>>
          tpu.wait_dma2 semaphore(%arg20 : memref<!tpu.dma_semaphore, #tpu.memory_space<semaphore_mem>>) src(%arg14 : memref<128x128xf32, #tpu.memory_space<vmem>>) dst(%dma_wait3A_101 : memref<128x128xf32, #tpu.memory_space<hbm>>)
        } else {
        }
        %dma_start3A = arith.constant 0 : i32
        %dma_start3A_79 = tpu.memref_slice %arg8[%add3A_37, %dma_start3A] : memref<40x128xi32, #tpu.memory_space<vmem>> -> memref<1x128xi32, #tpu.memory_space<vmem>>
        %dma_start3A_80 = tpu.memref_squeeze %dma_start3A_79 : memref<1x128xi32, #tpu.memory_space<vmem>> -> memref<128xi32, #tpu.memory_space<vmem>>
        %dma_start3A_81 = arith.constant 0 : i32
        %dma_start3A_82 = arith.constant 0 : i32
        %dma_start3A_83 = tpu.memref_slice %arg2[%dma_start3A_81, %dma_start3A_82] : memref<10000x128xf32, #tpu.memory_space<hbm>> -> memref<10000x128xf32, #tpu.memory_space<hbm>>
        tpu.enqueue_indirect_dma source(%dma_start3A_83 : memref<10000x128xf32, #tpu.memory_space<hbm>>) target(%arg11 : memref<128x128xf32, #tpu.memory_space<vmem>>) offsets(%dma_start3A_80 : memref<128xi32, #tpu.memory_space<vmem>>) semaphore(%arg17 : memref<!tpu.dma_semaphore, #tpu.memory_space<semaphore_mem>>)
        %dma_start3A_84 = arith.constant 0 : i32
        %dma_start3A_85 = tpu.memref_slice %arg9[%add3A_37, %dma_start3A_84] : memref<40x128xi32, #tpu.memory_space<vmem>> -> memref<1x128xi32, #tpu.memory_space<vmem>>
        %dma_start3A_86 = tpu.memref_squeeze %dma_start3A_85 : memref<1x128xi32, #tpu.memory_space<vmem>> -> memref<128xi32, #tpu.memory_space<vmem>>
        %dma_start3A_87 = arith.constant 0 : i32
        %dma_start3A_88 = arith.constant 0 : i32
        %dma_start3A_89 = tpu.memref_slice %arg3[%dma_start3A_87, %dma_start3A_88] : memref<10000x128xf32, #tpu.memory_space<hbm>> -> memref<10000x128xf32, #tpu.memory_space<hbm>>
        tpu.enqueue_indirect_dma source(%dma_start3A_89 : memref<10000x128xf32, #tpu.memory_space<hbm>>) target(%arg14 : memref<128x128xf32, #tpu.memory_space<vmem>>) offsets(%dma_start3A_86 : memref<128xi32, #tpu.memory_space<vmem>>) semaphore(%arg17 : memref<!tpu.dma_semaphore, #tpu.memory_space<semaphore_mem>>)
      } else {
      }
      %mul3A_42 = arith.constant 3 : i32
      %mul3A_43 = arith.muli %add3A_26, %mul3A_42 : i32
      %add3A_44 = arith.constant 2 : i32
      %add3A_45 = arith.addi %mul3A_43, %add3A_44 : i32
      %lt3A_46 = arith.cmpi slt, %add3A_45, %min3A_5 : i32
      %convert_element_type3A_47 = arith.extui %lt3A_46 : i1 to i32
      %cond3A_48 = arith.constant 0 : i32
      %cond3A_49 = arith.cmpi ne, %convert_element_type3A_47, %cond3A_48 : i32
      scf.if %cond3A_49 {
        %gt3A_74 = arith.constant 0 : i32
        %gt3A_75 = arith.cmpi sgt, %add3A_26, %gt3A_74 : i32
        %convert_element_type3A_76 = arith.extui %gt3A_75 : i1 to i32
        %cond3A_77 = arith.constant 0 : i32
        %cond3A_78 = arith.cmpi ne, %convert_element_type3A_76, %cond3A_77 : i32
        scf.if %cond3A_78 {
          %add3A_90 = arith.addi %mul3A_2, %add3A_45 : i32
          %sub3A_91 = arith.constant 3 : i32
          %sub3A_92 = arith.subi %add3A_90, %sub3A_91 : i32
          %mul3A_93 = arith.constant 128 : i32
          %mul3A_94 = arith.muli %sub3A_92, %mul3A_93 : i32
          %dma_wait3A = arith.constant 0 : i32
          %dma_wait3A_95 = tpu.memref_slice %arg6[%mul3A_94, %dma_wait3A] : memref<163840x128xf32, #tpu.memory_space<hbm>> -> memref<128x128xf32, #tpu.memory_space<hbm>>
          %dma_wait3A_96 = arith.constant 0 : i32
          %dma_wait3A_97 = tpu.memref_slice %arg6[%mul3A_94, %dma_wait3A_96] : memref<163840x128xf32, #tpu.memory_space<hbm>> -> memref<128x128xf32, #tpu.memory_space<hbm>>
          tpu.wait_dma2 semaphore(%arg21 : memref<!tpu.dma_semaphore, #tpu.memory_space<semaphore_mem>>) src(%arg12 : memref<128x128xf32, #tpu.memory_space<vmem>>) dst(%dma_wait3A_97 : memref<128x128xf32, #tpu.memory_space<hbm>>)
          %dma_wait3A_98 = arith.constant 0 : i32
          %dma_wait3A_99 = tpu.memref_slice %arg7[%mul3A_94, %dma_wait3A_98] : memref<163840x128xf32, #tpu.memory_space<hbm>> -> memref<128x128xf32, #tpu.memory_space<hbm>>
          %dma_wait3A_100 = arith.constant 0 : i32
          %dma_wait3A_101 = tpu.memref_slice %arg7[%mul3A_94, %dma_wait3A_100] : memref<163840x128xf32, #tpu.memory_space<hbm>> -> memref<128x128xf32, #tpu.memory_space<hbm>>
          tpu.wait_dma2 semaphore(%arg21 : memref<!tpu.dma_semaphore, #tpu.memory_space<semaphore_mem>>) src(%arg15 : memref<128x128xf32, #tpu.memory_space<vmem>>) dst(%dma_wait3A_101 : memref<128x128xf32, #tpu.memory_space<hbm>>)
        } else {
        }
        %dma_start3A = arith.constant 0 : i32
        %dma_start3A_79 = tpu.memref_slice %arg8[%add3A_45, %dma_start3A] : memref<40x128xi32, #tpu.memory_space<vmem>> -> memref<1x128xi32, #tpu.memory_space<vmem>>
        %dma_start3A_80 = tpu.memref_squeeze %dma_start3A_79 : memref<1x128xi32, #tpu.memory_space<vmem>> -> memref<128xi32, #tpu.memory_space<vmem>>
        %dma_start3A_81 = arith.constant 0 : i32
        %dma_start3A_82 = arith.constant 0 : i32
        %dma_start3A_83 = tpu.memref_slice %arg2[%dma_start3A_81, %dma_start3A_82] : memref<10000x128xf32, #tpu.memory_space<hbm>> -> memref<10000x128xf32, #tpu.memory_space<hbm>>
        tpu.enqueue_indirect_dma source(%dma_start3A_83 : memref<10000x128xf32, #tpu.memory_space<hbm>>) target(%arg12 : memref<128x128xf32, #tpu.memory_space<vmem>>) offsets(%dma_start3A_80 : memref<128xi32, #tpu.memory_space<vmem>>) semaphore(%arg18 : memref<!tpu.dma_semaphore, #tpu.memory_space<semaphore_mem>>)
        %dma_start3A_84 = arith.constant 0 : i32
        %dma_start3A_85 = tpu.memref_slice %arg9[%add3A_45, %dma_start3A_84] : memref<40x128xi32, #tpu.memory_space<vmem>> -> memref<1x128xi32, #tpu.memory_space<vmem>>
        %dma_start3A_86 = tpu.memref_squeeze %dma_start3A_85 : memref<1x128xi32, #tpu.memory_space<vmem>> -> memref<128xi32, #tpu.memory_space<vmem>>
        %dma_start3A_87 = arith.constant 0 : i32
        %dma_start3A_88 = arith.constant 0 : i32
        %dma_start3A_89 = tpu.memref_slice %arg3[%dma_start3A_87, %dma_start3A_88] : memref<10000x128xf32, #tpu.memory_space<hbm>> -> memref<10000x128xf32, #tpu.memory_space<hbm>>
        tpu.enqueue_indirect_dma source(%dma_start3A_89 : memref<10000x128xf32, #tpu.memory_space<hbm>>) target(%arg15 : memref<128x128xf32, #tpu.memory_space<vmem>>) offsets(%dma_start3A_86 : memref<128xi32, #tpu.memory_space<vmem>>) semaphore(%arg18 : memref<!tpu.dma_semaphore, #tpu.memory_space<semaphore_mem>>)
      } else {
      }
      %mul3A_50 = arith.constant 3 : i32
      %mul3A_51 = arith.muli %add3A_26, %mul3A_50 : i32
      %add3A_52 = arith.constant 0 : i32
      %add3A_53 = arith.addi %mul3A_51, %add3A_52 : i32
      %lt3A_54 = arith.cmpi slt, %add3A_53, %min3A_5 : i32
      %convert_element_type3A_55 = arith.extui %lt3A_54 : i1 to i32
      %cond3A_56 = arith.constant 0 : i32
      %cond3A_57 = arith.cmpi ne, %convert_element_type3A_55, %cond3A_56 : i32
      scf.if %cond3A_57 {
        %add3A_74 = arith.addi %mul3A_2, %add3A_53 : i32
        %mul3A_75 = arith.constant 128 : i32
        %mul3A_76 = arith.muli %add3A_74, %mul3A_75 : i32
        %dma_wait3A = arith.constant 0 : i32
        %dma_wait3A_77 = tpu.memref_slice %arg8[%add3A_53, %dma_wait3A] : memref<40x128xi32, #tpu.memory_space<vmem>> -> memref<1x128xi32, #tpu.memory_space<vmem>>
        %dma_wait3A_78 = tpu.memref_squeeze %dma_wait3A_77 : memref<1x128xi32, #tpu.memory_space<vmem>> -> memref<128xi32, #tpu.memory_space<vmem>>
        %dma_wait3A_79 = arith.constant 0 : i32
        %dma_wait3A_80 = arith.constant 0 : i32
        %dma_wait3A_81 = tpu.memref_slice %arg2[%dma_wait3A_79, %dma_wait3A_80] : memref<10000x128xf32, #tpu.memory_space<hbm>> -> memref<10000x128xf32, #tpu.memory_space<hbm>>
        tpu.wait_indirect_dma semaphore(%arg16 : memref<!tpu.dma_semaphore, #tpu.memory_space<semaphore_mem>>) src(%dma_wait3A_81 : memref<10000x128xf32, #tpu.memory_space<hbm>>) dst(%arg10 : memref<128x128xf32, #tpu.memory_space<vmem>>)
        %dma_wait3A_82 = arith.constant 0 : i32
        %dma_wait3A_83 = tpu.memref_slice %arg9[%add3A_53, %dma_wait3A_82] : memref<40x128xi32, #tpu.memory_space<vmem>> -> memref<1x128xi32, #tpu.memory_space<vmem>>
        %dma_wait3A_84 = tpu.memref_squeeze %dma_wait3A_83 : memref<1x128xi32, #tpu.memory_space<vmem>> -> memref<128xi32, #tpu.memory_space<vmem>>
        %dma_wait3A_85 = arith.constant 0 : i32
        %dma_wait3A_86 = arith.constant 0 : i32
        %dma_wait3A_87 = tpu.memref_slice %arg3[%dma_wait3A_85, %dma_wait3A_86] : memref<10000x128xf32, #tpu.memory_space<hbm>> -> memref<10000x128xf32, #tpu.memory_space<hbm>>
        tpu.wait_indirect_dma semaphore(%arg16 : memref<!tpu.dma_semaphore, #tpu.memory_space<semaphore_mem>>) src(%dma_wait3A_87 : memref<10000x128xf32, #tpu.memory_space<hbm>>) dst(%arg13 : memref<128x128xf32, #tpu.memory_space<vmem>>)
        %dma_start3A = arith.constant 0 : i32
        %dma_start3A_88 = tpu.memref_slice %arg6[%mul3A_76, %dma_start3A] : memref<163840x128xf32, #tpu.memory_space<hbm>> -> memref<128x128xf32, #tpu.memory_space<hbm>>
        %dma_start3A_89 = arith.constant 0 : i32
        %dma_start3A_90 = tpu.memref_slice %arg6[%mul3A_76, %dma_start3A_89] : memref<163840x128xf32, #tpu.memory_space<hbm>> -> memref<128x128xf32, #tpu.memory_space<hbm>>
        tpu.enqueue_dma source(%arg10 : memref<128x128xf32, #tpu.memory_space<vmem>>) target(%dma_start3A_90 : memref<128x128xf32, #tpu.memory_space<hbm>>) target_semaphore(%arg19 : memref<!tpu.dma_semaphore, #tpu.memory_space<semaphore_mem>>)
        %dma_start3A_91 = arith.constant 0 : i32
        %dma_start3A_92 = tpu.memref_slice %arg7[%mul3A_76, %dma_start3A_91] : memref<163840x128xf32, #tpu.memory_space<hbm>> -> memref<128x128xf32, #tpu.memory_space<hbm>>
        %dma_start3A_93 = arith.constant 0 : i32
        %dma_start3A_94 = tpu.memref_slice %arg7[%mul3A_76, %dma_start3A_93] : memref<163840x128xf32, #tpu.memory_space<hbm>> -> memref<128x128xf32, #tpu.memory_space<hbm>>
        tpu.enqueue_dma source(%arg13 : memref<128x128xf32, #tpu.memory_space<vmem>>) target(%dma_start3A_94 : memref<128x128xf32, #tpu.memory_space<hbm>>) target_semaphore(%arg19 : memref<!tpu.dma_semaphore, #tpu.memory_space<semaphore_mem>>)
      } else {
      }
      %mul3A_58 = arith.constant 3 : i32
      %mul3A_59 = arith.muli %add3A_26, %mul3A_58 : i32
      %add3A_60 = arith.constant 1 : i32
      %add3A_61 = arith.addi %mul3A_59, %add3A_60 : i32
      %lt3A_62 = arith.cmpi slt, %add3A_61, %min3A_5 : i32
      %convert_element_type3A_63 = arith.extui %lt3A_62 : i1 to i32
      %cond3A_64 = arith.constant 0 : i32
      %cond3A_65 = arith.cmpi ne, %convert_element_type3A_63, %cond3A_64 : i32
      scf.if %cond3A_65 {
        %add3A_74 = arith.addi %mul3A_2, %add3A_61 : i32
        %mul3A_75 = arith.constant 128 : i32
        %mul3A_76 = arith.muli %add3A_74, %mul3A_75 : i32
        %dma_wait3A = arith.constant 0 : i32
        %dma_wait3A_77 = tpu.memref_slice %arg8[%add3A_61, %dma_wait3A] : memref<40x128xi32, #tpu.memory_space<vmem>> -> memref<1x128xi32, #tpu.memory_space<vmem>>
        %dma_wait3A_78 = tpu.memref_squeeze %dma_wait3A_77 : memref<1x128xi32, #tpu.memory_space<vmem>> -> memref<128xi32, #tpu.memory_space<vmem>>
        %dma_wait3A_79 = arith.constant 0 : i32
        %dma_wait3A_80 = arith.constant 0 : i32
        %dma_wait3A_81 = tpu.memref_slice %arg2[%dma_wait3A_79, %dma_wait3A_80] : memref<10000x128xf32, #tpu.memory_space<hbm>> -> memref<10000x128xf32, #tpu.memory_space<hbm>>
        tpu.wait_indirect_dma semaphore(%arg17 : memref<!tpu.dma_semaphore, #tpu.memory_space<semaphore_mem>>) src(%dma_wait3A_81 : memref<10000x128xf32, #tpu.memory_space<hbm>>) dst(%arg11 : memref<128x128xf32, #tpu.memory_space<vmem>>)
        %dma_wait3A_82 = arith.constant 0 : i32
        %dma_wait3A_83 = tpu.memref_slice %arg9[%add3A_61, %dma_wait3A_82] : memref<40x128xi32, #tpu.memory_space<vmem>> -> memref<1x128xi32, #tpu.memory_space<vmem>>
        %dma_wait3A_84 = tpu.memref_squeeze %dma_wait3A_83 : memref<1x128xi32, #tpu.memory_space<vmem>> -> memref<128xi32, #tpu.memory_space<vmem>>
        %dma_wait3A_85 = arith.constant 0 : i32
        %dma_wait3A_86 = arith.constant 0 : i32
        %dma_wait3A_87 = tpu.memref_slice %arg3[%dma_wait3A_85, %dma_wait3A_86] : memref<10000x128xf32, #tpu.memory_space<hbm>> -> memref<10000x128xf32, #tpu.memory_space<hbm>>
        tpu.wait_indirect_dma semaphore(%arg17 : memref<!tpu.dma_semaphore, #tpu.memory_space<semaphore_mem>>) src(%dma_wait3A_87 : memref<10000x128xf32, #tpu.memory_space<hbm>>) dst(%arg14 : memref<128x128xf32, #tpu.memory_space<vmem>>)
        %dma_start3A = arith.constant 0 : i32
        %dma_start3A_88 = tpu.memref_slice %arg6[%mul3A_76, %dma_start3A] : memref<163840x128xf32, #tpu.memory_space<hbm>> -> memref<128x128xf32, #tpu.memory_space<hbm>>
        %dma_start3A_89 = arith.constant 0 : i32
        %dma_start3A_90 = tpu.memref_slice %arg6[%mul3A_76, %dma_start3A_89] : memref<163840x128xf32, #tpu.memory_space<hbm>> -> memref<128x128xf32, #tpu.memory_space<hbm>>
        tpu.enqueue_dma source(%arg11 : memref<128x128xf32, #tpu.memory_space<vmem>>) target(%dma_start3A_90 : memref<128x128xf32, #tpu.memory_space<hbm>>) target_semaphore(%arg20 : memref<!tpu.dma_semaphore, #tpu.memory_space<semaphore_mem>>)
        %dma_start3A_91 = arith.constant 0 : i32
        %dma_start3A_92 = tpu.memref_slice %arg7[%mul3A_76, %dma_start3A_91] : memref<163840x128xf32, #tpu.memory_space<hbm>> -> memref<128x128xf32, #tpu.memory_space<hbm>>
        %dma_start3A_93 = arith.constant 0 : i32
        %dma_start3A_94 = tpu.memref_slice %arg7[%mul3A_76, %dma_start3A_93] : memref<163840x128xf32, #tpu.memory_space<hbm>> -> memref<128x128xf32, #tpu.memory_space<hbm>>
        tpu.enqueue_dma source(%arg14 : memref<128x128xf32, #tpu.memory_space<vmem>>) target(%dma_start3A_94 : memref<128x128xf32, #tpu.memory_space<hbm>>) target_semaphore(%arg20 : memref<!tpu.dma_semaphore, #tpu.memory_space<semaphore_mem>>)
      } else {
      }
      %mul3A_66 = arith.constant 3 : i32
      %mul3A_67 = arith.muli %add3A_26, %mul3A_66 : i32
      %add3A_68 = arith.constant 2 : i32
      %add3A_69 = arith.addi %mul3A_67, %add3A_68 : i32
      %lt3A_70 = arith.cmpi slt, %add3A_69, %min3A_5 : i32
      %convert_element_type3A_71 = arith.extui %lt3A_70 : i1 to i32
      %cond3A_72 = arith.constant 0 : i32
      %cond3A_73 = arith.cmpi ne, %convert_element_type3A_71, %cond3A_72 : i32
      scf.if %cond3A_73 {
        %add3A_74 = arith.addi %mul3A_2, %add3A_69 : i32
        %mul3A_75 = arith.constant 128 : i32
        %mul3A_76 = arith.muli %add3A_74, %mul3A_75 : i32
        %dma_wait3A = arith.constant 0 : i32
        %dma_wait3A_77 = tpu.memref_slice %arg8[%add3A_69, %dma_wait3A] : memref<40x128xi32, #tpu.memory_space<vmem>> -> memref<1x128xi32, #tpu.memory_space<vmem>>
        %dma_wait3A_78 = tpu.memref_squeeze %dma_wait3A_77 : memref<1x128xi32, #tpu.memory_space<vmem>> -> memref<128xi32, #tpu.memory_space<vmem>>
        %dma_wait3A_79 = arith.constant 0 : i32
        %dma_wait3A_80 = arith.constant 0 : i32
        %dma_wait3A_81 = tpu.memref_slice %arg2[%dma_wait3A_79, %dma_wait3A_80] : memref<10000x128xf32, #tpu.memory_space<hbm>> -> memref<10000x128xf32, #tpu.memory_space<hbm>>
        tpu.wait_indirect_dma semaphore(%arg18 : memref<!tpu.dma_semaphore, #tpu.memory_space<semaphore_mem>>) src(%dma_wait3A_81 : memref<10000x128xf32, #tpu.memory_space<hbm>>) dst(%arg12 : memref<128x128xf32, #tpu.memory_space<vmem>>)
        %dma_wait3A_82 = arith.constant 0 : i32
        %dma_wait3A_83 = tpu.memref_slice %arg9[%add3A_69, %dma_wait3A_82] : memref<40x128xi32, #tpu.memory_space<vmem>> -> memref<1x128xi32, #tpu.memory_space<vmem>>
        %dma_wait3A_84 = tpu.memref_squeeze %dma_wait3A_83 : memref<1x128xi32, #tpu.memory_space<vmem>> -> memref<128xi32, #tpu.memory_space<vmem>>
        %dma_wait3A_85 = arith.constant 0 : i32
        %dma_wait3A_86 = arith.constant 0 : i32
        %dma_wait3A_87 = tpu.memref_slice %arg3[%dma_wait3A_85, %dma_wait3A_86] : memref<10000x128xf32, #tpu.memory_space<hbm>> -> memref<10000x128xf32, #tpu.memory_space<hbm>>
        tpu.wait_indirect_dma semaphore(%arg18 : memref<!tpu.dma_semaphore, #tpu.memory_space<semaphore_mem>>) src(%dma_wait3A_87 : memref<10000x128xf32, #tpu.memory_space<hbm>>) dst(%arg15 : memref<128x128xf32, #tpu.memory_space<vmem>>)
        %dma_start3A = arith.constant 0 : i32
        %dma_start3A_88 = tpu.memref_slice %arg6[%mul3A_76, %dma_start3A] : memref<163840x128xf32, #tpu.memory_space<hbm>> -> memref<128x128xf32, #tpu.memory_space<hbm>>
        %dma_start3A_89 = arith.constant 0 : i32
        %dma_start3A_90 = tpu.memref_slice %arg6[%mul3A_76, %dma_start3A_89] : memref<163840x128xf32, #tpu.memory_space<hbm>> -> memref<128x128xf32, #tpu.memory_space<hbm>>
        tpu.enqueue_dma source(%arg12 : memref<128x128xf32, #tpu.memory_space<vmem>>) target(%dma_start3A_90 : memref<128x128xf32, #tpu.memory_space<hbm>>) target_semaphore(%arg21 : memref<!tpu.dma_semaphore, #tpu.memory_space<semaphore_mem>>)
        %dma_start3A_91 = arith.constant 0 : i32
        %dma_start3A_92 = tpu.memref_slice %arg7[%mul3A_76, %dma_start3A_91] : memref<163840x128xf32, #tpu.memory_space<hbm>> -> memref<128x128xf32, #tpu.memory_space<hbm>>
        %dma_start3A_93 = arith.constant 0 : i32
        %dma_start3A_94 = tpu.memref_slice %arg7[%mul3A_76, %dma_start3A_93] : memref<163840x128xf32, #tpu.memory_space<hbm>> -> memref<128x128xf32, #tpu.memory_space<hbm>>
        tpu.enqueue_dma source(%arg15 : memref<128x128xf32, #tpu.memory_space<vmem>>) target(%dma_start3A_94 : memref<128x128xf32, #tpu.memory_space<hbm>>) target_semaphore(%arg21 : memref<!tpu.dma_semaphore, #tpu.memory_space<semaphore_mem>>)
      } else {
      }
    }
    %scan3A_9 = arith.constant 14 : i32
    %gt3A = arith.constant 0 : i32
    %gt3A_10 = arith.cmpi sgt, %min3A_5, %gt3A : i32
    %convert_element_type3A = arith.extui %gt3A_10 : i1 to i32
    %cond3A = arith.constant 0 : i32
    %cond3A_11 = arith.cmpi ne, %convert_element_type3A, %cond3A : i32
    scf.if %cond3A_11 {
      %dma_wait3A = arith.constant 0 : i32
      %dma_wait3A_22 = arith.constant 0 : i32
      %dma_wait3A_23 = tpu.memref_slice %arg6[%dma_wait3A, %dma_wait3A_22] : memref<163840x128xf32, #tpu.memory_space<hbm>> -> memref<128x128xf32, #tpu.memory_space<hbm>>
      %dma_wait3A_24 = arith.constant 0 : i32
      %dma_wait3A_25 = arith.constant 0 : i32
      %dma_wait3A_26 = tpu.memref_slice %arg6[%dma_wait3A_24, %dma_wait3A_25] : memref<163840x128xf32, #tpu.memory_space<hbm>> -> memref<128x128xf32, #tpu.memory_space<hbm>>
      tpu.wait_dma2 semaphore(%arg19 : memref<!tpu.dma_semaphore, #tpu.memory_space<semaphore_mem>>) src(%arg10 : memref<128x128xf32, #tpu.memory_space<vmem>>) dst(%dma_wait3A_26 : memref<128x128xf32, #tpu.memory_space<hbm>>)
      %dma_wait3A_27 = arith.constant 0 : i32
      %dma_wait3A_28 = arith.constant 0 : i32
      %dma_wait3A_29 = tpu.memref_slice %arg7[%dma_wait3A_27, %dma_wait3A_28] : memref<163840x128xf32, #tpu.memory_space<hbm>> -> memref<128x128xf32, #tpu.memory_space<hbm>>
      %dma_wait3A_30 = arith.constant 0 : i32
      %dma_wait3A_31 = arith.constant 0 : i32
      %dma_wait3A_32 = tpu.memref_slice %arg7[%dma_wait3A_30, %dma_wait3A_31] : memref<163840x128xf32, #tpu.memory_space<hbm>> -> memref<128x128xf32, #tpu.memory_space<hbm>>
      tpu.wait_dma2 semaphore(%arg19 : memref<!tpu.dma_semaphore, #tpu.memory_space<semaphore_mem>>) src(%arg13 : memref<128x128xf32, #tpu.memory_space<vmem>>) dst(%dma_wait3A_32 : memref<128x128xf32, #tpu.memory_space<hbm>>)
    } else {
    }
    %gt3A_12 = arith.constant 1 : i32
    %gt3A_13 = arith.cmpi sgt, %min3A_5, %gt3A_12 : i32
    %convert_element_type3A_14 = arith.extui %gt3A_13 : i1 to i32
    %cond3A_15 = arith.constant 0 : i32
    %cond3A_16 = arith.cmpi ne, %convert_element_type3A_14, %cond3A_15 : i32
    scf.if %cond3A_16 {
      %dma_wait3A = arith.constant 0 : i32
      %dma_wait3A_22 = arith.constant 0 : i32
      %dma_wait3A_23 = tpu.memref_slice %arg6[%dma_wait3A, %dma_wait3A_22] : memref<163840x128xf32, #tpu.memory_space<hbm>> -> memref<128x128xf32, #tpu.memory_space<hbm>>
      %dma_wait3A_24 = arith.constant 0 : i32
      %dma_wait3A_25 = arith.constant 0 : i32
      %dma_wait3A_26 = tpu.memref_slice %arg6[%dma_wait3A_24, %dma_wait3A_25] : memref<163840x128xf32, #tpu.memory_space<hbm>> -> memref<128x128xf32, #tpu.memory_space<hbm>>
      tpu.wait_dma2 semaphore(%arg20 : memref<!tpu.dma_semaphore, #tpu.memory_space<semaphore_mem>>) src(%arg11 : memref<128x128xf32, #tpu.memory_space<vmem>>) dst(%dma_wait3A_26 : memref<128x128xf32, #tpu.memory_space<hbm>>)
      %dma_wait3A_27 = arith.constant 0 : i32
      %dma_wait3A_28 = arith.constant 0 : i32
      %dma_wait3A_29 = tpu.memref_slice %arg7[%dma_wait3A_27, %dma_wait3A_28] : memref<163840x128xf32, #tpu.memory_space<hbm>> -> memref<128x128xf32, #tpu.memory_space<hbm>>
      %dma_wait3A_30 = arith.constant 0 : i32
      %dma_wait3A_31 = arith.constant 0 : i32
      %dma_wait3A_32 = tpu.memref_slice %arg7[%dma_wait3A_30, %dma_wait3A_31] : memref<163840x128xf32, #tpu.memory_space<hbm>> -> memref<128x128xf32, #tpu.memory_space<hbm>>
      tpu.wait_dma2 semaphore(%arg20 : memref<!tpu.dma_semaphore, #tpu.memory_space<semaphore_mem>>) src(%arg14 : memref<128x128xf32, #tpu.memory_space<vmem>>) dst(%dma_wait3A_32 : memref<128x128xf32, #tpu.memory_space<hbm>>)
    } else {
    }
    %gt3A_17 = arith.constant 2 : i32
    %gt3A_18 = arith.cmpi sgt, %min3A_5, %gt3A_17 : i32
    %convert_element_type3A_19 = arith.extui %gt3A_18 : i1 to i32
    %cond3A_20 = arith.constant 0 : i32
    %cond3A_21 = arith.cmpi ne, %convert_element_type3A_19, %cond3A_20 : i32
    scf.if %cond3A_21 {
      %dma_wait3A = arith.constant 0 : i32
      %dma_wait3A_22 = arith.constant 0 : i32
      %dma_wait3A_23 = tpu.memref_slice %arg6[%dma_wait3A, %dma_wait3A_22] : memref<163840x128xf32, #tpu.memory_space<hbm>> -> memref<128x128xf32, #tpu.memory_space<hbm>>
      %dma_wait3A_24 = arith.constant 0 : i32
      %dma_wait3A_25 = arith.constant 0 : i32
      %dma_wait3A_26 = tpu.memref_slice %arg6[%dma_wait3A_24, %dma_wait3A_25] : memref<163840x128xf32, #tpu.memory_space<hbm>> -> memref<128x128xf32, #tpu.memory_space<hbm>>
      tpu.wait_dma2 semaphore(%arg21 : memref<!tpu.dma_semaphore, #tpu.memory_space<semaphore_mem>>) src(%arg12 : memref<128x128xf32, #tpu.memory_space<vmem>>) dst(%dma_wait3A_26 : memref<128x128xf32, #tpu.memory_space<hbm>>)
      %dma_wait3A_27 = arith.constant 0 : i32
      %dma_wait3A_28 = arith.constant 0 : i32
      %dma_wait3A_29 = tpu.memref_slice %arg7[%dma_wait3A_27, %dma_wait3A_28] : memref<163840x128xf32, #tpu.memory_space<hbm>> -> memref<128x128xf32, #tpu.memory_space<hbm>>
      %dma_wait3A_30 = arith.constant 0 : i32
      %dma_wait3A_31 = arith.constant 0 : i32
      %dma_wait3A_32 = tpu.memref_slice %arg7[%dma_wait3A_30, %dma_wait3A_31] : memref<163840x128xf32, #tpu.memory_space<hbm>> -> memref<128x128xf32, #tpu.memory_space<hbm>>
      tpu.wait_dma2 semaphore(%arg21 : memref<!tpu.dma_semaphore, #tpu.memory_space<semaphore_mem>>) src(%arg15 : memref<128x128xf32, #tpu.memory_space<vmem>>) dst(%dma_wait3A_32 : memref<128x128xf32, #tpu.memory_space<hbm>>)
    } else {
    }
    return
  }
}

module attributes {stable_mosaic.version = 14 : i64} {
  func.func @_node_pre_body(%arg0: memref<10000x128xf32, #tpu.memory_space<vmem>>, %arg1: memref<128x128xf32, #tpu.memory_space<vmem>>, %arg2: memref<1x128xf32, #tpu.memory_space<vmem>>, %arg3: memref<128x128xf32, #tpu.memory_space<vmem>>, %arg4: memref<1x128xf32, #tpu.memory_space<vmem>>, %arg5: memref<1x128xf32, #tpu.memory_space<vmem>>, %arg6: memref<1x128xf32, #tpu.memory_space<vmem>>, %arg7: memref<128x128xf32, #tpu.memory_space<vmem>>, %arg8: memref<128x128xf32, #tpu.memory_space<vmem>>, %arg9: memref<10000x128xf32, #tpu.memory_space<vmem>>, %arg10: memref<10000x128xf32, #tpu.memory_space<vmem>>, %arg11: memref<10000x128xf32, #tpu.memory_space<vmem>>) attributes {dimension_semantics = [], scalar_prefetch = 0 : i64, scratch_operands = 0 : i64, tpu.core_type = #tpu.core_type<tc>} {
    %get3A = arith.constant 0 : index
    %get3A_0 = arith.constant 0 : index
    %get3A_1 = vector.load %arg0[%get3A, %get3A_0] : memref<10000x128xf32, #tpu.memory_space<vmem>>, vector<10000x128xf32>
    %get3A_2 = arith.constant 0 : index
    %get3A_3 = arith.constant 0 : index
    %get3A_4 = vector.load %arg1[%get3A_2, %get3A_3] : memref<128x128xf32, #tpu.memory_space<vmem>>, vector<128x128xf32>
    %dot_general3A = arith.constant dense<0.000000e+00> : vector<10000x128xf32>
    %dot_general3A_5 = tpu.matmul %get3A_1, %get3A_4, %dot_general3A {dimension_numbers = #tpu.dot_dimension_numbers<[1], [0], [0], [1], [0, 0, 1, 1], [], []>, transpose_lhs_hint = false} : vector<10000x128xf32>, vector<128x128xf32>, vector<10000x128xf32> -> vector<10000x128xf32>
    %get3A_6 = arith.constant 0 : index
    %get3A_7 = arith.constant 0 : index
    %get3A_8 = vector.load %arg2[%get3A_6, %get3A_7] : memref<1x128xf32, #tpu.memory_space<vmem>>, vector<1x128xf32>
    %add3A = vector.broadcast %get3A_8 : vector<1x128xf32> to vector<10000x128xf32>
    %add3A_9 = arith.addf %dot_general3A_5, %add3A : vector<10000x128xf32>
    %logistic3A = arith.negf %add3A_9 : vector<10000x128xf32>
    %logistic3A_10 = math.exp %logistic3A : vector<10000x128xf32>
    %logistic3A_11 = arith.constant 1.000000e+00 : f32
    %logistic3A_12 = vector.broadcast %logistic3A_11 : f32 to vector<10000x128xf32>
    %logistic3A_13 = arith.addf %logistic3A_12, %logistic3A_10 : vector<10000x128xf32>
    %logistic3A_14 = arith.divf %logistic3A_12, %logistic3A_13 : vector<10000x128xf32>
    %mul3A = arith.mulf %add3A_9, %logistic3A_14 : vector<10000x128xf32>
    %get3A_15 = arith.constant 0 : index
    %get3A_16 = arith.constant 0 : index
    %get3A_17 = vector.load %arg3[%get3A_15, %get3A_16] : memref<128x128xf32, #tpu.memory_space<vmem>>, vector<128x128xf32>
    %dot_general3A_18 = arith.constant dense<0.000000e+00> : vector<10000x128xf32>
    %dot_general3A_19 = tpu.matmul %mul3A, %get3A_17, %dot_general3A_18 {dimension_numbers = #tpu.dot_dimension_numbers<[1], [0], [0], [1], [0, 0, 1, 1], [], []>, transpose_lhs_hint = false} : vector<10000x128xf32>, vector<128x128xf32>, vector<10000x128xf32> -> vector<10000x128xf32>
    %get3A_20 = arith.constant 0 : index
    %get3A_21 = arith.constant 0 : index
    %get3A_22 = vector.load %arg4[%get3A_20, %get3A_21] : memref<1x128xf32, #tpu.memory_space<vmem>>, vector<1x128xf32>
    %add3A_23 = vector.broadcast %get3A_22 : vector<1x128xf32> to vector<10000x128xf32>
    %add3A_24 = arith.addf %dot_general3A_19, %add3A_23 : vector<10000x128xf32>
    %get3A_25 = arith.constant 0 : index
    %get3A_26 = arith.constant 0 : index
    %get3A_27 = vector.load %arg5[%get3A_25, %get3A_26] : memref<1x128xf32, #tpu.memory_space<vmem>>, vector<1x128xf32>
    %get3A_28 = arith.constant 0 : index
    %get3A_29 = arith.constant 0 : index
    %get3A_30 = vector.load %arg6[%get3A_28, %get3A_29] : memref<1x128xf32, #tpu.memory_space<vmem>>, vector<1x128xf32>
    %reduce_sum3A = arith.constant dense<0.000000e+00> : vector<10000xf32>
    %reduce_sum3A_31 = vector.multi_reduction <add>, %add3A_24, %reduce_sum3A [1] : vector<10000x128xf32> to vector<10000xf32>
    %broadcast_in_dim3A = vector.shape_cast %reduce_sum3A_31 : vector<10000xf32> to vector<10000x1xf32>
    %div3A = arith.constant 1.280000e+02 : f32
    %div3A_32 = vector.broadcast %div3A : f32 to vector<10000x1xf32>
    %div3A_33 = arith.divf %broadcast_in_dim3A, %div3A_32 : vector<10000x1xf32>
    %sub3A = vector.broadcast %div3A_33 : vector<10000x1xf32> to vector<10000x128xf32>
    %sub3A_34 = arith.subf %add3A_24, %sub3A : vector<10000x128xf32>
    %integer_pow3A = arith.mulf %sub3A_34, %sub3A_34 : vector<10000x128xf32>
    %reduce_sum3A_35 = arith.constant dense<0.000000e+00> : vector<10000xf32>
    %reduce_sum3A_36 = vector.multi_reduction <add>, %integer_pow3A, %reduce_sum3A_35 [1] : vector<10000x128xf32> to vector<10000xf32>
    %broadcast_in_dim3A_37 = vector.shape_cast %reduce_sum3A_36 : vector<10000xf32> to vector<10000x1xf32>
    %div3A_38 = arith.constant 1.280000e+02 : f32
    %div3A_39 = vector.broadcast %div3A_38 : f32 to vector<10000x1xf32>
    %div3A_40 = arith.divf %broadcast_in_dim3A_37, %div3A_39 : vector<10000x1xf32>
    %sub3A_41 = vector.broadcast %div3A_33 : vector<10000x1xf32> to vector<10000x128xf32>
    %sub3A_42 = arith.subf %add3A_24, %sub3A_41 : vector<10000x128xf32>
    %add3A_43 = arith.constant 9.99999974E-6 : f32
    %add3A_44 = vector.broadcast %add3A_43 : f32 to vector<10000x1xf32>
    %add3A_45 = arith.addf %div3A_40, %add3A_44 : vector<10000x1xf32>
    %rsqrt3A = math.rsqrt %add3A_45 : vector<10000x1xf32>
    %mul3A_46 = vector.broadcast %rsqrt3A : vector<10000x1xf32> to vector<10000x128xf32>
    %mul3A_47 = arith.mulf %sub3A_42, %mul3A_46 : vector<10000x128xf32>
    %mul3A_48 = vector.broadcast %get3A_27 : vector<1x128xf32> to vector<10000x128xf32>
    %mul3A_49 = arith.mulf %mul3A_47, %mul3A_48 : vector<10000x128xf32>
    %add3A_50 = vector.broadcast %get3A_30 : vector<1x128xf32> to vector<10000x128xf32>
    %add3A_51 = arith.addf %mul3A_49, %add3A_50 : vector<10000x128xf32>
    %swap3A = arith.constant 0 : index
    %swap3A_52 = arith.constant 0 : index
    %swap3A_53 = vector.load %arg9[%swap3A, %swap3A_52] : memref<10000x128xf32, #tpu.memory_space<vmem>>, vector<10000x128xf32>
    tpu.vector_store %arg9[%swap3A, %swap3A_52], %add3A_51 {strides = array<i32>} : memref<10000x128xf32, #tpu.memory_space<vmem>>, vector<10000x128xf32>,
    %get3A_54 = arith.constant 0 : index
    %get3A_55 = arith.constant 0 : index
    %get3A_56 = vector.load %arg7[%get3A_54, %get3A_55] : memref<128x128xf32, #tpu.memory_space<vmem>>, vector<128x128xf32>
    %dot_general3A_57 = arith.constant dense<0.000000e+00> : vector<10000x128xf32>
    %dot_general3A_58 = tpu.matmul %add3A_51, %get3A_56, %dot_general3A_57 {dimension_numbers = #tpu.dot_dimension_numbers<[1], [0], [0], [1], [0, 0, 1, 1], [], []>, transpose_lhs_hint = false} : vector<10000x128xf32>, vector<128x128xf32>, vector<10000x128xf32> -> vector<10000x128xf32>
    %swap3A_59 = arith.constant 0 : index
    %swap3A_60 = arith.constant 0 : index
    %swap3A_61 = vector.load %arg10[%swap3A_59, %swap3A_60] : memref<10000x128xf32, #tpu.memory_space<vmem>>, vector<10000x128xf32>
    tpu.vector_store %arg10[%swap3A_59, %swap3A_60], %dot_general3A_58 {strides = array<i32>} : memref<10000x128xf32, #tpu.memory_space<vmem>>, vector<10000x128xf32>,
    %get3A_62 = arith.constant 0 : index
    %get3A_63 = arith.constant 0 : index
    %get3A_64 = vector.load %arg8[%get3A_62, %get3A_63] : memref<128x128xf32, #tpu.memory_space<vmem>>, vector<128x128xf32>
    %dot_general3A_65 = arith.constant dense<0.000000e+00> : vector<10000x128xf32>
    %dot_general3A_66 = tpu.matmul %add3A_51, %get3A_64, %dot_general3A_65 {dimension_numbers = #tpu.dot_dimension_numbers<[1], [0], [0], [1], [0, 0, 1, 1], [], []>, transpose_lhs_hint = false} : vector<10000x128xf32>, vector<128x128xf32>, vector<10000x128xf32> -> vector<10000x128xf32>
    %swap3A_67 = arith.constant 0 : index
    %swap3A_68 = arith.constant 0 : index
    %swap3A_69 = vector.load %arg11[%swap3A_67, %swap3A_68] : memref<10000x128xf32, #tpu.memory_space<vmem>>, vector<10000x128xf32>
    tpu.vector_store %arg11[%swap3A_67, %swap3A_68], %dot_general3A_66 {strides = array<i32>} : memref<10000x128xf32, #tpu.memory_space<vmem>>, vector<10000x128xf32>,
    return
  }
}

module attributes {stable_mosaic.version = 14 : i64} {
  func.func @_edge_fused_body(%arg0: i32, %arg1: memref<4096x16xf32, #tpu.memory_space<vmem>>, %arg2: memref<4096x128xf32, #tpu.memory_space<vmem>>, %arg3: memref<4096x128xf32, #tpu.memory_space<vmem>>, %arg4: memref<16x128xf32, #tpu.memory_space<vmem>>, %arg5: memref<1x128xf32, #tpu.memory_space<vmem>>, %arg6: memref<128x128xf32, #tpu.memory_space<vmem>>, %arg7: memref<1x128xf32, #tpu.memory_space<vmem>>, %arg8: memref<1x128xf32, #tpu.memory_space<vmem>>, %arg9: memref<1x128xf32, #tpu.memory_space<vmem>>, %arg10: memref<128x128xf32, #tpu.memory_space<vmem>>, %arg11: memref<1x128xf32, #tpu.memory_space<vmem>>, %arg12: memref<128x128xf32, #tpu.memory_space<vmem>>, %arg13: memref<1x128xf32, #tpu.memory_space<vmem>>, %arg14: memref<1x128xf32, #tpu.memory_space<vmem>>, %arg15: memref<1x128xf32, #tpu.memory_space<vmem>>, %arg16: memref<4096x128xf32, #tpu.memory_space<vmem>>) attributes {dimension_semantics = [#tpu.dimension_semantics<arbitrary>], iteration_bounds = array<i64: 40>, scalar_prefetch = 0 : i64, scratch_operands = 0 : i64, tpu.core_type = #tpu.core_type<tc>, window_params = [{transform_indices = @transform_0, window_bounds = array<i64: 4096, 16>}, {transform_indices = @transform_1, window_bounds = array<i64: 4096, 128>}, {transform_indices = @transform_2, window_bounds = array<i64: 4096, 128>}, {pipeline_mode = #tpu.pipeline_mode<synchronous>, transform_indices = @transform_3, window_bounds = array<i64: 16, 128>}, {pipeline_mode = #tpu.pipeline_mode<synchronous>, transform_indices = @transform_4, window_bounds = array<i64: 1, 128>}, {pipeline_mode = #tpu.pipeline_mode<synchronous>, transform_indices = @transform_5, window_bounds = array<i64: 128, 128>}, {pipeline_mode = #tpu.pipeline_mode<synchronous>, transform_indices = @transform_6, window_bounds = array<i64: 1, 128>}, {pipeline_mode = #tpu.pipeline_mode<synchronous>, transform_indices = @transform_7, window_bounds = array<i64: 1, 128>}, {pipeline_mode = #tpu.pipeline_mode<synchronous>, transform_indices = @transform_8, window_bounds = array<i64: 1, 128>}, {pipeline_mode = #tpu.pipeline_mode<synchronous>, transform_indices = @transform_9, window_bounds = array<i64: 128, 128>}, {pipeline_mode = #tpu.pipeline_mode<synchronous>, transform_indices = @transform_10, window_bounds = array<i64: 1, 128>}, {pipeline_mode = #tpu.pipeline_mode<synchronous>, transform_indices = @transform_11, window_bounds = array<i64: 128, 128>}, {pipeline_mode = #tpu.pipeline_mode<synchronous>, transform_indices = @transform_12, window_bounds = array<i64: 1, 128>}, {pipeline_mode = #tpu.pipeline_mode<synchronous>, transform_indices = @transform_13, window_bounds = array<i64: 1, 128>}, {pipeline_mode = #tpu.pipeline_mode<synchronous>, transform_indices = @transform_14, window_bounds = array<i64: 1, 128>}, {transform_indices = @transform_15, window_bounds = array<i64: 4096, 128>}]} {
    %get3A = arith.constant 0 : index
    %get3A_0 = arith.constant 0 : index
    %get3A_1 = vector.load %arg1[%get3A, %get3A_0] : memref<4096x16xf32, #tpu.memory_space<vmem>>, vector<4096x16xf32>
    %get3A_2 = arith.constant 0 : index
    %get3A_3 = arith.constant 0 : index
    %get3A_4 = vector.load %arg4[%get3A_2, %get3A_3] : memref<16x128xf32, #tpu.memory_space<vmem>>, vector<16x128xf32>
    %dot_general3A = arith.constant dense<0.000000e+00> : vector<4096x128xf32>
    %dot_general3A_5 = tpu.matmul %get3A_1, %get3A_4, %dot_general3A {dimension_numbers = #tpu.dot_dimension_numbers<[1], [0], [0], [1], [0, 0, 1, 1], [], []>, transpose_lhs_hint = false} : vector<4096x16xf32>, vector<16x128xf32>, vector<4096x128xf32> -> vector<4096x128xf32>
    %get3A_6 = arith.constant 0 : index
    %get3A_7 = arith.constant 0 : index
    %get3A_8 = vector.load %arg5[%get3A_6, %get3A_7] : memref<1x128xf32, #tpu.memory_space<vmem>>, vector<1x128xf32>
    %add3A = vector.broadcast %get3A_8 : vector<1x128xf32> to vector<4096x128xf32>
    %add3A_9 = arith.addf %dot_general3A_5, %add3A : vector<4096x128xf32>
    %logistic3A = arith.negf %add3A_9 : vector<4096x128xf32>
    %logistic3A_10 = math.exp %logistic3A : vector<4096x128xf32>
    %logistic3A_11 = arith.constant 1.000000e+00 : f32
    %logistic3A_12 = vector.broadcast %logistic3A_11 : f32 to vector<4096x128xf32>
    %logistic3A_13 = arith.addf %logistic3A_12, %logistic3A_10 : vector<4096x128xf32>
    %logistic3A_14 = arith.divf %logistic3A_12, %logistic3A_13 : vector<4096x128xf32>
    %mul3A = arith.mulf %add3A_9, %logistic3A_14 : vector<4096x128xf32>
    %get3A_15 = arith.constant 0 : index
    %get3A_16 = arith.constant 0 : index
    %get3A_17 = vector.load %arg6[%get3A_15, %get3A_16] : memref<128x128xf32, #tpu.memory_space<vmem>>, vector<128x128xf32>
    %convert_element_type3A = arith.truncf %mul3A : vector<4096x128xf32> to vector<4096x128xbf16>
    %convert_element_type3A_18 = arith.truncf %get3A_17 : vector<128x128xf32> to vector<128x128xbf16>
    %dot_general3A_19 = arith.constant dense<0.000000e+00> : vector<4096x128xf32>
    %dot_general3A_20 = tpu.matmul %convert_element_type3A, %convert_element_type3A_18, %dot_general3A_19 {dimension_numbers = #tpu.dot_dimension_numbers<[1], [0], [0], [1], [0, 0, 1, 1], [], []>, transpose_lhs_hint = false} : vector<4096x128xbf16>, vector<128x128xbf16>, vector<4096x128xf32> -> vector<4096x128xf32>
    %get3A_21 = arith.constant 0 : index
    %get3A_22 = arith.constant 0 : index
    %get3A_23 = vector.load %arg7[%get3A_21, %get3A_22] : memref<1x128xf32, #tpu.memory_space<vmem>>, vector<1x128xf32>
    %add3A_24 = vector.broadcast %get3A_23 : vector<1x128xf32> to vector<4096x128xf32>
    %add3A_25 = arith.addf %dot_general3A_20, %add3A_24 : vector<4096x128xf32>
    %get3A_26 = arith.constant 0 : index
    %get3A_27 = arith.constant 0 : index
    %get3A_28 = vector.load %arg8[%get3A_26, %get3A_27] : memref<1x128xf32, #tpu.memory_space<vmem>>, vector<1x128xf32>
    %get3A_29 = arith.constant 0 : index
    %get3A_30 = arith.constant 0 : index
    %get3A_31 = vector.load %arg9[%get3A_29, %get3A_30] : memref<1x128xf32, #tpu.memory_space<vmem>>, vector<1x128xf32>
    %reduce_sum3A = arith.constant dense<0.000000e+00> : vector<4096xf32>
    %reduce_sum3A_32 = vector.multi_reduction <add>, %add3A_25, %reduce_sum3A [1] : vector<4096x128xf32> to vector<4096xf32>
    %broadcast_in_dim3A = vector.shape_cast %reduce_sum3A_32 : vector<4096xf32> to vector<4096x1xf32>
    %div3A = arith.constant 1.280000e+02 : f32
    %div3A_33 = vector.broadcast %div3A : f32 to vector<4096x1xf32>
    %div3A_34 = arith.divf %broadcast_in_dim3A, %div3A_33 : vector<4096x1xf32>
    %sub3A = vector.broadcast %div3A_34 : vector<4096x1xf32> to vector<4096x128xf32>
    %sub3A_35 = arith.subf %add3A_25, %sub3A : vector<4096x128xf32>
    %integer_pow3A = arith.mulf %sub3A_35, %sub3A_35 : vector<4096x128xf32>
    %reduce_sum3A_36 = arith.constant dense<0.000000e+00> : vector<4096xf32>
    %reduce_sum3A_37 = vector.multi_reduction <add>, %integer_pow3A, %reduce_sum3A_36 [1] : vector<4096x128xf32> to vector<4096xf32>
    %broadcast_in_dim3A_38 = vector.shape_cast %reduce_sum3A_37 : vector<4096xf32> to vector<4096x1xf32>
    %div3A_39 = arith.constant 1.280000e+02 : f32
    %div3A_40 = vector.broadcast %div3A_39 : f32 to vector<4096x1xf32>
    %div3A_41 = arith.divf %broadcast_in_dim3A_38, %div3A_40 : vector<4096x1xf32>
    %sub3A_42 = vector.broadcast %div3A_34 : vector<4096x1xf32> to vector<4096x128xf32>
    %sub3A_43 = arith.subf %add3A_25, %sub3A_42 : vector<4096x128xf32>
    %add3A_44 = arith.constant 9.99999974E-6 : f32
    %add3A_45 = vector.broadcast %add3A_44 : f32 to vector<4096x1xf32>
    %add3A_46 = arith.addf %div3A_41, %add3A_45 : vector<4096x1xf32>
    %rsqrt3A = math.rsqrt %add3A_46 : vector<4096x1xf32>
    %mul3A_47 = vector.broadcast %rsqrt3A : vector<4096x1xf32> to vector<4096x128xf32>
    %mul3A_48 = arith.mulf %sub3A_43, %mul3A_47 : vector<4096x128xf32>
    %mul3A_49 = vector.broadcast %get3A_28 : vector<1x128xf32> to vector<4096x128xf32>
    %mul3A_50 = arith.mulf %mul3A_48, %mul3A_49 : vector<4096x128xf32>
    %add3A_51 = vector.broadcast %get3A_31 : vector<1x128xf32> to vector<4096x128xf32>
    %add3A_52 = arith.addf %mul3A_50, %add3A_51 : vector<4096x128xf32>
    %get3A_53 = arith.constant 0 : index
    %get3A_54 = arith.constant 0 : index
    %get3A_55 = vector.load %arg10[%get3A_53, %get3A_54] : memref<128x128xf32, #tpu.memory_space<vmem>>, vector<128x128xf32>
    %convert_element_type3A_56 = arith.truncf %add3A_52 : vector<4096x128xf32> to vector<4096x128xbf16>
    %convert_element_type3A_57 = arith.truncf %get3A_55 : vector<128x128xf32> to vector<128x128xbf16>
    %dot_general3A_58 = arith.constant dense<0.000000e+00> : vector<4096x128xf32>
    %dot_general3A_59 = tpu.matmul %convert_element_type3A_56, %convert_element_type3A_57, %dot_general3A_58 {dimension_numbers = #tpu.dot_dimension_numbers<[1], [0], [0], [1], [0, 0, 1, 1], [], []>, transpose_lhs_hint = false} : vector<4096x128xbf16>, vector<128x128xbf16>, vector<4096x128xf32> -> vector<4096x128xf32>
    %get3A_60 = arith.constant 0 : index
    %get3A_61 = arith.constant 0 : index
    %get3A_62 = vector.load %arg11[%get3A_60, %get3A_61] : memref<1x128xf32, #tpu.memory_space<vmem>>, vector<1x128xf32>
    %add3A_63 = vector.broadcast %get3A_62 : vector<1x128xf32> to vector<4096x128xf32>
    %add3A_64 = arith.addf %dot_general3A_59, %add3A_63 : vector<4096x128xf32>
    %get3A_65 = arith.constant 0 : index
    %get3A_66 = arith.constant 0 : index
    %get3A_67 = vector.load %arg2[%get3A_65, %get3A_66] : memref<4096x128xf32, #tpu.memory_space<vmem>>, vector<4096x128xf32>
    %get3A_68 = arith.constant 0 : index
    %get3A_69 = arith.constant 0 : index
    %get3A_70 = vector.load %arg3[%get3A_68, %get3A_69] : memref<4096x128xf32, #tpu.memory_space<vmem>>, vector<4096x128xf32>
    %add3A_71 = arith.addf %get3A_67, %get3A_70 : vector<4096x128xf32>
    %add3A_72 = arith.addf %add3A_71, %add3A_64 : vector<4096x128xf32>
    %logistic3A_73 = arith.negf %add3A_72 : vector<4096x128xf32>
    %logistic3A_74 = math.exp %logistic3A_73 : vector<4096x128xf32>
    %logistic3A_75 = arith.constant 1.000000e+00 : f32
    %logistic3A_76 = vector.broadcast %logistic3A_75 : f32 to vector<4096x128xf32>
    %logistic3A_77 = arith.addf %logistic3A_76, %logistic3A_74 : vector<4096x128xf32>
    %logistic3A_78 = arith.divf %logistic3A_76, %logistic3A_77 : vector<4096x128xf32>
    %mul3A_79 = arith.mulf %add3A_72, %logistic3A_78 : vector<4096x128xf32>
    %get3A_80 = arith.constant 0 : index
    %get3A_81 = arith.constant 0 : index
    %get3A_82 = vector.load %arg12[%get3A_80, %get3A_81] : memref<128x128xf32, #tpu.memory_space<vmem>>, vector<128x128xf32>
    %convert_element_type3A_83 = arith.truncf %mul3A_79 : vector<4096x128xf32> to vector<4096x128xbf16>
    %convert_element_type3A_84 = arith.truncf %get3A_82 : vector<128x128xf32> to vector<128x128xbf16>
    %dot_general3A_85 = arith.constant dense<0.000000e+00> : vector<4096x128xf32>
    %dot_general3A_86 = tpu.matmul %convert_element_type3A_83, %convert_element_type3A_84, %dot_general3A_85 {dimension_numbers = #tpu.dot_dimension_numbers<[1], [0], [0], [1], [0, 0, 1, 1], [], []>, transpose_lhs_hint = false} : vector<4096x128xbf16>, vector<128x128xbf16>, vector<4096x128xf32> -> vector<4096x128xf32>
    %get3A_87 = arith.constant 0 : index
    %get3A_88 = arith.constant 0 : index
    %get3A_89 = vector.load %arg13[%get3A_87, %get3A_88] : memref<1x128xf32, #tpu.memory_space<vmem>>, vector<1x128xf32>
    %add3A_90 = vector.broadcast %get3A_89 : vector<1x128xf32> to vector<4096x128xf32>
    %add3A_91 = arith.addf %dot_general3A_86, %add3A_90 : vector<4096x128xf32>
    %get3A_92 = arith.constant 0 : index
    %get3A_93 = arith.constant 0 : index
    %get3A_94 = vector.load %arg14[%get3A_92, %get3A_93] : memref<1x128xf32, #tpu.memory_space<vmem>>, vector<1x128xf32>
    %get3A_95 = arith.constant 0 : index
    %get3A_96 = arith.constant 0 : index
    %get3A_97 = vector.load %arg15[%get3A_95, %get3A_96] : memref<1x128xf32, #tpu.memory_space<vmem>>, vector<1x128xf32>
    %reduce_sum3A_98 = arith.constant dense<0.000000e+00> : vector<4096xf32>
    %reduce_sum3A_99 = vector.multi_reduction <add>, %add3A_91, %reduce_sum3A_98 [1] : vector<4096x128xf32> to vector<4096xf32>
    %broadcast_in_dim3A_100 = vector.shape_cast %reduce_sum3A_99 : vector<4096xf32> to vector<4096x1xf32>
    %div3A_101 = arith.constant 1.280000e+02 : f32
    %div3A_102 = vector.broadcast %div3A_101 : f32 to vector<4096x1xf32>
    %div3A_103 = arith.divf %broadcast_in_dim3A_100, %div3A_102 : vector<4096x1xf32>
    %sub3A_104 = vector.broadcast %div3A_103 : vector<4096x1xf32> to vector<4096x128xf32>
    %sub3A_105 = arith.subf %add3A_91, %sub3A_104 : vector<4096x128xf32>
    %integer_pow3A_106 = arith.mulf %sub3A_105, %sub3A_105 : vector<4096x128xf32>
    %reduce_sum3A_107 = arith.constant dense<0.000000e+00> : vector<4096xf32>
    %reduce_sum3A_108 = vector.multi_reduction <add>, %integer_pow3A_106, %reduce_sum3A_107 [1] : vector<4096x128xf32> to vector<4096xf32>
    %broadcast_in_dim3A_109 = vector.shape_cast %reduce_sum3A_108 : vector<4096xf32> to vector<4096x1xf32>
    %div3A_110 = arith.constant 1.280000e+02 : f32
    %div3A_111 = vector.broadcast %div3A_110 : f32 to vector<4096x1xf32>
    %div3A_112 = arith.divf %broadcast_in_dim3A_109, %div3A_111 : vector<4096x1xf32>
    %sub3A_113 = vector.broadcast %div3A_103 : vector<4096x1xf32> to vector<4096x128xf32>
    %sub3A_114 = arith.subf %add3A_91, %sub3A_113 : vector<4096x128xf32>
    %add3A_115 = arith.constant 9.99999974E-6 : f32
    %add3A_116 = vector.broadcast %add3A_115 : f32 to vector<4096x1xf32>
    %add3A_117 = arith.addf %div3A_112, %add3A_116 : vector<4096x1xf32>
    %rsqrt3A_118 = math.rsqrt %add3A_117 : vector<4096x1xf32>
    %mul3A_119 = vector.broadcast %rsqrt3A_118 : vector<4096x1xf32> to vector<4096x128xf32>
    %mul3A_120 = arith.mulf %sub3A_114, %mul3A_119 : vector<4096x128xf32>
    %mul3A_121 = vector.broadcast %get3A_94 : vector<1x128xf32> to vector<4096x128xf32>
    %mul3A_122 = arith.mulf %mul3A_120, %mul3A_121 : vector<4096x128xf32>
    %add3A_123 = vector.broadcast %get3A_97 : vector<1x128xf32> to vector<4096x128xf32>
    %add3A_124 = arith.addf %mul3A_122, %add3A_123 : vector<4096x128xf32>
    %swap3A = arith.constant 0 : index
    %swap3A_125 = arith.constant 0 : index
    %swap3A_126 = vector.load %arg16[%swap3A, %swap3A_125] : memref<4096x128xf32, #tpu.memory_space<vmem>>, vector<4096x128xf32>
    tpu.vector_store %arg16[%swap3A, %swap3A_125], %add3A_124 {strides = array<i32>} : memref<4096x128xf32, #tpu.memory_space<vmem>>, vector<4096x128xf32>,
    return
  }
  func.func @transform_0(%arg0: i32) -> (i32, i32) {
    %c0_i32 = arith.constant 0 : i32
    %c0_i32_0 = arith.constant 0 : i32
    return %arg0, %c0_i32 : i32, i32
  }
  func.func @transform_1(%arg0: i32) -> (i32, i32) {
    %c0_i32 = arith.constant 0 : i32
    %c0_i32_0 = arith.constant 0 : i32
    return %arg0, %c0_i32 : i32, i32
  }
  func.func @transform_2(%arg0: i32) -> (i32, i32) {
    %c0_i32 = arith.constant 0 : i32
    %c0_i32_0 = arith.constant 0 : i32
    return %arg0, %c0_i32 : i32, i32
  }
  func.func @transform_3(%arg0: i32) -> (i32, i32) {
    %c0_i32 = arith.constant 0 : i32
    %c0_i32_0 = arith.constant 0 : i32
    %c0_i32_1 = arith.constant 0 : i32
    return %c0_i32, %c0_i32_0 : i32, i32
  }
  func.func @transform_4(%arg0: i32) -> (i32, i32) {
    %c0_i32 = arith.constant 0 : i32
    %c0_i32_0 = arith.constant 0 : i32
    %c0_i32_1 = arith.constant 0 : i32
    return %c0_i32, %c0_i32_0 : i32, i32
  }
  func.func @transform_5(%arg0: i32) -> (i32, i32) {
    %c0_i32 = arith.constant 0 : i32
    %c0_i32_0 = arith.constant 0 : i32
    %c0_i32_1 = arith.constant 0 : i32
    return %c0_i32, %c0_i32_0 : i32, i32
  }
  func.func @transform_6(%arg0: i32) -> (i32, i32) {
    %c0_i32 = arith.constant 0 : i32
    %c0_i32_0 = arith.constant 0 : i32
    %c0_i32_1 = arith.constant 0 : i32
    return %c0_i32, %c0_i32_0 : i32, i32
  }
  func.func @transform_7(%arg0: i32) -> (i32, i32) {
    %c0_i32 = arith.constant 0 : i32
    %c0_i32_0 = arith.constant 0 : i32
    %c0_i32_1 = arith.constant 0 : i32
    return %c0_i32, %c0_i32_0 : i32, i32
  }
  func.func @transform_8(%arg0: i32) -> (i32, i32) {
    %c0_i32 = arith.constant 0 : i32
    %c0_i32_0 = arith.constant 0 : i32
    %c0_i32_1 = arith.constant 0 : i32
    return %c0_i32, %c0_i32_0 : i32, i32
  }
  func.func @transform_9(%arg0: i32) -> (i32, i32) {
    %c0_i32 = arith.constant 0 : i32
    %c0_i32_0 = arith.constant 0 : i32
    %c0_i32_1 = arith.constant 0 : i32
    return %c0_i32, %c0_i32_0 : i32, i32
  }
  func.func @transform_10(%arg0: i32) -> (i32, i32) {
    %c0_i32 = arith.constant 0 : i32
    %c0_i32_0 = arith.constant 0 : i32
    %c0_i32_1 = arith.constant 0 : i32
    return %c0_i32, %c0_i32_0 : i32, i32
  }
  func.func @transform_11(%arg0: i32) -> (i32, i32) {
    %c0_i32 = arith.constant 0 : i32
    %c0_i32_0 = arith.constant 0 : i32
    %c0_i32_1 = arith.constant 0 : i32
    return %c0_i32, %c0_i32_0 : i32, i32
  }
  func.func @transform_12(%arg0: i32) -> (i32, i32) {
    %c0_i32 = arith.constant 0 : i32
    %c0_i32_0 = arith.constant 0 : i32
    %c0_i32_1 = arith.constant 0 : i32
    return %c0_i32, %c0_i32_0 : i32, i32
  }
  func.func @transform_13(%arg0: i32) -> (i32, i32) {
    %c0_i32 = arith.constant 0 : i32
    %c0_i32_0 = arith.constant 0 : i32
    %c0_i32_1 = arith.constant 0 : i32
    return %c0_i32, %c0_i32_0 : i32, i32
  }
  func.func @transform_14(%arg0: i32) -> (i32, i32) {
    %c0_i32 = arith.constant 0 : i32
    %c0_i32_0 = arith.constant 0 : i32
    %c0_i32_1 = arith.constant 0 : i32
    return %c0_i32, %c0_i32_0 : i32, i32
  }
  func.func @transform_15(%arg0: i32) -> (i32, i32) {
    %c0_i32 = arith.constant 0 : i32
    %c0_i32_0 = arith.constant 0 : i32
    return %arg0, %c0_i32 : i32, i32
  }
}

module attributes {stable_mosaic.version = 14 : i64} {
  func.func @_node_post_body(%arg0: memref<10000x128xf32, #tpu.memory_space<vmem>>, %arg1: memref<2x10000x128xf32, #tpu.memory_space<vmem>>, %arg2: memref<128x128xf32, #tpu.memory_space<vmem>>, %arg3: memref<128x128xf32, #tpu.memory_space<vmem>>, %arg4: memref<1x128xf32, #tpu.memory_space<vmem>>, %arg5: memref<128x128xf32, #tpu.memory_space<vmem>>, %arg6: memref<1x128xf32, #tpu.memory_space<vmem>>, %arg7: memref<1x128xf32, #tpu.memory_space<vmem>>, %arg8: memref<1x128xf32, #tpu.memory_space<vmem>>, %arg9: memref<128x128xf32, #tpu.memory_space<vmem>>, %arg10: memref<1x128xf32, #tpu.memory_space<vmem>>, %arg11: memref<128x128xf32, #tpu.memory_space<vmem>>, %arg12: memref<1x128xf32, #tpu.memory_space<vmem>>, %arg13: memref<1x128xf32, #tpu.memory_space<vmem>>, %arg14: memref<1x128xf32, #tpu.memory_space<vmem>>, %arg15: memref<10000x128xf32, #tpu.memory_space<vmem>>) attributes {dimension_semantics = [], scalar_prefetch = 0 : i64, scratch_operands = 0 : i64, tpu.core_type = #tpu.core_type<tc>} {
    %get3A = arith.constant 0 : index
    %get3A_0 = arith.constant 0 : index
    %get3A_1 = arith.constant 0 : index
    %get3A_2 = vector.load %arg1[%get3A, %get3A_0, %get3A_1] : memref<2x10000x128xf32, #tpu.memory_space<vmem>>, vector<1x10000x128xf32>
    %get3A_3 = vector.shape_cast %get3A_2 : vector<1x10000x128xf32> to vector<10000x128xf32>
    %get3A_4 = arith.constant 1 : index
    %get3A_5 = arith.constant 0 : index
    %get3A_6 = arith.constant 0 : index
    %get3A_7 = vector.load %arg1[%get3A_4, %get3A_5, %get3A_6] : memref<2x10000x128xf32, #tpu.memory_space<vmem>>, vector<1x10000x128xf32>
    %get3A_8 = vector.shape_cast %get3A_7 : vector<1x10000x128xf32> to vector<10000x128xf32>
    %add3A = arith.addf %get3A_3, %get3A_8 : vector<10000x128xf32>
    %get3A_9 = arith.constant 0 : index
    %get3A_10 = arith.constant 0 : index
    %get3A_11 = vector.load %arg0[%get3A_9, %get3A_10] : memref<10000x128xf32, #tpu.memory_space<vmem>>, vector<10000x128xf32>
    %get3A_12 = arith.constant 0 : index
    %get3A_13 = arith.constant 0 : index
    %get3A_14 = vector.load %arg2[%get3A_12, %get3A_13] : memref<128x128xf32, #tpu.memory_space<vmem>>, vector<128x128xf32>
    %dot_general3A = arith.constant dense<0.000000e+00> : vector<10000x128xf32>
    %dot_general3A_15 = tpu.matmul %get3A_11, %get3A_14, %dot_general3A {dimension_numbers = #tpu.dot_dimension_numbers<[1], [0], [0], [1], [0, 0, 1, 1], [], []>, transpose_lhs_hint = false} : vector<10000x128xf32>, vector<128x128xf32>, vector<10000x128xf32> -> vector<10000x128xf32>
    %get3A_16 = arith.constant 0 : index
    %get3A_17 = arith.constant 0 : index
    %get3A_18 = vector.load %arg3[%get3A_16, %get3A_17] : memref<128x128xf32, #tpu.memory_space<vmem>>, vector<128x128xf32>
    %dot_general3A_19 = arith.constant dense<0.000000e+00> : vector<10000x128xf32>
    %dot_general3A_20 = tpu.matmul %add3A, %get3A_18, %dot_general3A_19 {dimension_numbers = #tpu.dot_dimension_numbers<[1], [0], [0], [1], [0, 0, 1, 1], [], []>, transpose_lhs_hint = false} : vector<10000x128xf32>, vector<128x128xf32>, vector<10000x128xf32> -> vector<10000x128xf32>
    %add3A_21 = arith.addf %dot_general3A_15, %dot_general3A_20 : vector<10000x128xf32>
    %get3A_22 = arith.constant 0 : index
    %get3A_23 = arith.constant 0 : index
    %get3A_24 = vector.load %arg4[%get3A_22, %get3A_23] : memref<1x128xf32, #tpu.memory_space<vmem>>, vector<1x128xf32>
    %add3A_25 = vector.broadcast %get3A_24 : vector<1x128xf32> to vector<10000x128xf32>
    %add3A_26 = arith.addf %add3A_21, %add3A_25 : vector<10000x128xf32>
    %logistic3A = arith.negf %add3A_26 : vector<10000x128xf32>
    %logistic3A_27 = math.exp %logistic3A : vector<10000x128xf32>
    %logistic3A_28 = arith.constant 1.000000e+00 : f32
    %logistic3A_29 = vector.broadcast %logistic3A_28 : f32 to vector<10000x128xf32>
    %logistic3A_30 = arith.addf %logistic3A_29, %logistic3A_27 : vector<10000x128xf32>
    %logistic3A_31 = arith.divf %logistic3A_29, %logistic3A_30 : vector<10000x128xf32>
    %mul3A = arith.mulf %add3A_26, %logistic3A_31 : vector<10000x128xf32>
    %get3A_32 = arith.constant 0 : index
    %get3A_33 = arith.constant 0 : index
    %get3A_34 = vector.load %arg5[%get3A_32, %get3A_33] : memref<128x128xf32, #tpu.memory_space<vmem>>, vector<128x128xf32>
    %dot_general3A_35 = arith.constant dense<0.000000e+00> : vector<10000x128xf32>
    %dot_general3A_36 = tpu.matmul %mul3A, %get3A_34, %dot_general3A_35 {dimension_numbers = #tpu.dot_dimension_numbers<[1], [0], [0], [1], [0, 0, 1, 1], [], []>, transpose_lhs_hint = false} : vector<10000x128xf32>, vector<128x128xf32>, vector<10000x128xf32> -> vector<10000x128xf32>
    %get3A_37 = arith.constant 0 : index
    %get3A_38 = arith.constant 0 : index
    %get3A_39 = vector.load %arg6[%get3A_37, %get3A_38] : memref<1x128xf32, #tpu.memory_space<vmem>>, vector<1x128xf32>
    %add3A_40 = vector.broadcast %get3A_39 : vector<1x128xf32> to vector<10000x128xf32>
    %add3A_41 = arith.addf %dot_general3A_36, %add3A_40 : vector<10000x128xf32>
    %get3A_42 = arith.constant 0 : index
    %get3A_43 = arith.constant 0 : index
    %get3A_44 = vector.load %arg0[%get3A_42, %get3A_43] : memref<10000x128xf32, #tpu.memory_space<vmem>>, vector<10000x128xf32>
    %get3A_45 = arith.constant 0 : index
    %get3A_46 = arith.constant 0 : index
    %get3A_47 = vector.load %arg7[%get3A_45, %get3A_46] : memref<1x128xf32, #tpu.memory_space<vmem>>, vector<1x128xf32>
    %get3A_48 = arith.constant 0 : index
    %get3A_49 = arith.constant 0 : index
    %get3A_50 = vector.load %arg8[%get3A_48, %get3A_49] : memref<1x128xf32, #tpu.memory_space<vmem>>, vector<1x128xf32>
    %reduce_sum3A = arith.constant dense<0.000000e+00> : vector<10000xf32>
    %reduce_sum3A_51 = vector.multi_reduction <add>, %add3A_41, %reduce_sum3A [1] : vector<10000x128xf32> to vector<10000xf32>
    %broadcast_in_dim3A = vector.shape_cast %reduce_sum3A_51 : vector<10000xf32> to vector<10000x1xf32>
    %div3A = arith.constant 1.280000e+02 : f32
    %div3A_52 = vector.broadcast %div3A : f32 to vector<10000x1xf32>
    %div3A_53 = arith.divf %broadcast_in_dim3A, %div3A_52 : vector<10000x1xf32>
    %sub3A = vector.broadcast %div3A_53 : vector<10000x1xf32> to vector<10000x128xf32>
    %sub3A_54 = arith.subf %add3A_41, %sub3A : vector<10000x128xf32>
    %integer_pow3A = arith.mulf %sub3A_54, %sub3A_54 : vector<10000x128xf32>
    %reduce_sum3A_55 = arith.constant dense<0.000000e+00> : vector<10000xf32>
    %reduce_sum3A_56 = vector.multi_reduction <add>, %integer_pow3A, %reduce_sum3A_55 [1] : vector<10000x128xf32> to vector<10000xf32>
    %broadcast_in_dim3A_57 = vector.shape_cast %reduce_sum3A_56 : vector<10000xf32> to vector<10000x1xf32>
    %div3A_58 = arith.constant 1.280000e+02 : f32
    %div3A_59 = vector.broadcast %div3A_58 : f32 to vector<10000x1xf32>
    %div3A_60 = arith.divf %broadcast_in_dim3A_57, %div3A_59 : vector<10000x1xf32>
    %sub3A_61 = vector.broadcast %div3A_53 : vector<10000x1xf32> to vector<10000x128xf32>
    %sub3A_62 = arith.subf %add3A_41, %sub3A_61 : vector<10000x128xf32>
    %add3A_63 = arith.constant 9.99999974E-6 : f32
    %add3A_64 = vector.broadcast %add3A_63 : f32 to vector<10000x1xf32>
    %add3A_65 = arith.addf %div3A_60, %add3A_64 : vector<10000x1xf32>
    %rsqrt3A = math.rsqrt %add3A_65 : vector<10000x1xf32>
    %mul3A_66 = vector.broadcast %rsqrt3A : vector<10000x1xf32> to vector<10000x128xf32>
    %mul3A_67 = arith.mulf %sub3A_62, %mul3A_66 : vector<10000x128xf32>
    %mul3A_68 = vector.broadcast %get3A_47 : vector<1x128xf32> to vector<10000x128xf32>
    %mul3A_69 = arith.mulf %mul3A_67, %mul3A_68 : vector<10000x128xf32>
    %add3A_70 = vector.broadcast %get3A_50 : vector<1x128xf32> to vector<10000x128xf32>
    %add3A_71 = arith.addf %mul3A_69, %add3A_70 : vector<10000x128xf32>
    %add3A_72 = arith.addf %get3A_44, %add3A_71 : vector<10000x128xf32>
    %get3A_73 = arith.constant 0 : index
    %get3A_74 = arith.constant 0 : index
    %get3A_75 = vector.load %arg9[%get3A_73, %get3A_74] : memref<128x128xf32, #tpu.memory_space<vmem>>, vector<128x128xf32>
    %dot_general3A_76 = arith.constant dense<0.000000e+00> : vector<10000x128xf32>
    %dot_general3A_77 = tpu.matmul %add3A_72, %get3A_75, %dot_general3A_76 {dimension_numbers = #tpu.dot_dimension_numbers<[1], [0], [0], [1], [0, 0, 1, 1], [], []>, transpose_lhs_hint = false} : vector<10000x128xf32>, vector<128x128xf32>, vector<10000x128xf32> -> vector<10000x128xf32>
    %get3A_78 = arith.constant 0 : index
    %get3A_79 = arith.constant 0 : index
    %get3A_80 = vector.load %arg10[%get3A_78, %get3A_79] : memref<1x128xf32, #tpu.memory_space<vmem>>, vector<1x128xf32>
    %add3A_81 = vector.broadcast %get3A_80 : vector<1x128xf32> to vector<10000x128xf32>
    %add3A_82 = arith.addf %dot_general3A_77, %add3A_81 : vector<10000x128xf32>
    %logistic3A_83 = arith.negf %add3A_82 : vector<10000x128xf32>
    %logistic3A_84 = math.exp %logistic3A_83 : vector<10000x128xf32>
    %logistic3A_85 = arith.constant 1.000000e+00 : f32
    %logistic3A_86 = vector.broadcast %logistic3A_85 : f32 to vector<10000x128xf32>
    %logistic3A_87 = arith.addf %logistic3A_86, %logistic3A_84 : vector<10000x128xf32>
    %logistic3A_88 = arith.divf %logistic3A_86, %logistic3A_87 : vector<10000x128xf32>
    %mul3A_89 = arith.mulf %add3A_82, %logistic3A_88 : vector<10000x128xf32>
    %get3A_90 = arith.constant 0 : index
    %get3A_91 = arith.constant 0 : index
    %get3A_92 = vector.load %arg11[%get3A_90, %get3A_91] : memref<128x128xf32, #tpu.memory_space<vmem>>, vector<128x128xf32>
    %dot_general3A_93 = arith.constant dense<0.000000e+00> : vector<10000x128xf32>
    %dot_general3A_94 = tpu.matmul %mul3A_89, %get3A_92, %dot_general3A_93 {dimension_numbers = #tpu.dot_dimension_numbers<[1], [0], [0], [1], [0, 0, 1, 1], [], []>, transpose_lhs_hint = false} : vector<10000x128xf32>, vector<128x128xf32>, vector<10000x128xf32> -> vector<10000x128xf32>
    %get3A_95 = arith.constant 0 : index
    %get3A_96 = arith.constant 0 : index
    %get3A_97 = vector.load %arg12[%get3A_95, %get3A_96] : memref<1x128xf32, #tpu.memory_space<vmem>>, vector<1x128xf32>
    %add3A_98 = vector.broadcast %get3A_97 : vector<1x128xf32> to vector<10000x128xf32>
    %add3A_99 = arith.addf %dot_general3A_94, %add3A_98 : vector<10000x128xf32>
    %get3A_100 = arith.constant 0 : index
    %get3A_101 = arith.constant 0 : index
    %get3A_102 = vector.load %arg13[%get3A_100, %get3A_101] : memref<1x128xf32, #tpu.memory_space<vmem>>, vector<1x128xf32>
    %get3A_103 = arith.constant 0 : index
    %get3A_104 = arith.constant 0 : index
    %get3A_105 = vector.load %arg14[%get3A_103, %get3A_104] : memref<1x128xf32, #tpu.memory_space<vmem>>, vector<1x128xf32>
    %reduce_sum3A_106 = arith.constant dense<0.000000e+00> : vector<10000xf32>
    %reduce_sum3A_107 = vector.multi_reduction <add>, %add3A_99, %reduce_sum3A_106 [1] : vector<10000x128xf32> to vector<10000xf32>
    %broadcast_in_dim3A_108 = vector.shape_cast %reduce_sum3A_107 : vector<10000xf32> to vector<10000x1xf32>
    %div3A_109 = arith.constant 1.280000e+02 : f32
    %div3A_110 = vector.broadcast %div3A_109 : f32 to vector<10000x1xf32>
    %div3A_111 = arith.divf %broadcast_in_dim3A_108, %div3A_110 : vector<10000x1xf32>
    %sub3A_112 = vector.broadcast %div3A_111 : vector<10000x1xf32> to vector<10000x128xf32>
    %sub3A_113 = arith.subf %add3A_99, %sub3A_112 : vector<10000x128xf32>
    %integer_pow3A_114 = arith.mulf %sub3A_113, %sub3A_113 : vector<10000x128xf32>
    %reduce_sum3A_115 = arith.constant dense<0.000000e+00> : vector<10000xf32>
    %reduce_sum3A_116 = vector.multi_reduction <add>, %integer_pow3A_114, %reduce_sum3A_115 [1] : vector<10000x128xf32> to vector<10000xf32>
    %broadcast_in_dim3A_117 = vector.shape_cast %reduce_sum3A_116 : vector<10000xf32> to vector<10000x1xf32>
    %div3A_118 = arith.constant 1.280000e+02 : f32
    %div3A_119 = vector.broadcast %div3A_118 : f32 to vector<10000x1xf32>
    %div3A_120 = arith.divf %broadcast_in_dim3A_117, %div3A_119 : vector<10000x1xf32>
    %sub3A_121 = vector.broadcast %div3A_111 : vector<10000x1xf32> to vector<10000x128xf32>
    %sub3A_122 = arith.subf %add3A_99, %sub3A_121 : vector<10000x128xf32>
    %add3A_123 = arith.constant 9.99999974E-6 : f32
    %add3A_124 = vector.broadcast %add3A_123 : f32 to vector<10000x1xf32>
    %add3A_125 = arith.addf %div3A_120, %add3A_124 : vector<10000x1xf32>
    %rsqrt3A_126 = math.rsqrt %add3A_125 : vector<10000x1xf32>
    %mul3A_127 = vector.broadcast %rsqrt3A_126 : vector<10000x1xf32> to vector<10000x128xf32>
    %mul3A_128 = arith.mulf %sub3A_122, %mul3A_127 : vector<10000x128xf32>
    %mul3A_129 = vector.broadcast %get3A_102 : vector<1x128xf32> to vector<10000x128xf32>
    %mul3A_130 = arith.mulf %mul3A_128, %mul3A_129 : vector<10000x128xf32>
    %add3A_131 = vector.broadcast %get3A_105 : vector<1x128xf32> to vector<10000x128xf32>
    %add3A_132 = arith.addf %mul3A_130, %add3A_131 : vector<10000x128xf32>
    %swap3A = arith.constant 0 : index
    %swap3A_133 = arith.constant 0 : index
    %swap3A_134 = vector.load %arg15[%swap3A, %swap3A_133] : memref<10000x128xf32, #tpu.memory_space<vmem>>, vector<10000x128xf32>
    tpu.vector_store %arg15[%swap3A, %swap3A_133], %add3A_132 {strides = array<i32>} : memref<10000x128xf32, #tpu.memory_space<vmem>>, vector<10000x128xf32>,
    return
  }
}

</mosaic_0001>

<sc_bundles>
// kernel: kernel.10.cloned.1.call-start
scs
__scs_entry_jumppad:
0x0: {  	(pc) =	sbr.rel $0x88, $3  }
0x1: {  	(tag) =	ssettag $0x0;
	lr =	simm.s32 $0x1  }
0x2: {  	[smem:$0x3F80] =	sst lr;
	_ =	strace $0xD0000000  }
0x3: {  	_ = 	snop  }
0x4: {  	_ = 	snop  }
0x5: {  	_ = 	snop  }
0x6: {  	_ = 	snop  }
0x7: {  	_ = 	snop  }
__scs_overlays_trampoline_lowered:
0x8: {  	[smem:$0x3F8F] =	sst s0  }
0x9: {  	[smem:$0x3F90] =	sst s1  }
0xa: {  	[smem:$0x3F91] =	sst s2  }
0xb: {  	[smem:$0x3F92] =	sst s3  }
0xc: {  	[smem:$0x3F93] =	sst s4  }
0xd: {  	[smem:$0x3F94] =	sst s5  }
0xe: {  	[smem:$0x3F95] =	sst s6  }
0xf: {  	[smem:$0x3F96] =	sst s7  }
0x10: {  	[smem:$0x3F97] =	sst s8  }
0x11: {  	[smem:$0x3F98] =	sst s9;
	s0 =	simm.s32 @!p0 $0x0  }
0x12: {  	s1 =	sld [smem:$0x3F7E];
	s0 =	simm.s32 @p0 $0x1  }
0x13: {  	[smem:$0x3F99] =	sst s0;
	s0 =	simm.s32 @!p1 $0x0  }
0x14: {  	s2 =	sld [smem:$0x3F7D];
	s0 =	simm.s32 @p1 $0x1  }
0x15: {  	[smem:$0x3F9A] =	sst s0;
	s0 =	simm.s32 @!p2 $0x0  }
0x16: {  	s3 =	sld [smem:$0x3FDB];
	s0 =	simm.s32 @p2 $0x1  }
0x17: {  	s4 =	simm.s32 $0x1BF5;
	[smem:$0x3F9C] =	sst s0  }
0x18: {  	s0 =	sld [smem:$0x3F7F];
	_ =	swait.ge [sflag:s4], $0x0  }
0x19: {  	s7 =	sld [smem:$0x3F80]  }
0x1a: {  	s8 =	sadd.s32 $0xFFFFE003, lr  }
0x1b: {  	s9 =	sadd.s32 $0xFFFFFEF7, lr;
	s5 =	simm.s32 $0xFFFFFFFF;
	p2 =	slt.u32 s8, $0xFFFFF086  }
0x1c: {  	p1 =	slt.u32 s9, $0xF7A;
	s5 =	simm.s32 @!p2 $0x0  }
0x1d: {  	s5 =	simm.s32 @p1 $0x1;
	p0 =	seq.s32 s7, s2  }
0x1e: {  	s7 =	smul.u32 @!p0 $0xF7A, s2;
	p2 =	seq.s32 @!p0 s5, $0x0  }
0x1f: {  	s9 =	smul.u32 $0xF7A, s1;
	s8 =	simm.s32 @!p0 $0x1BF5;
	p2 =	por !p2, p0  }
0x20: {  	[sflag:s8] =	ssyncset.s32 @!p0 $0xFFFFF086;
	s6 =	sadd.s32 @!p0 s3, s7;
	s7 =	simm.s32 @!p0 $0x108  }
0x21: {  	s3 =	sadd.s32 s3, s9;
	s6 =	sadd.s32 @!p0 $0x88, s6;
	s7 =	simm.s32 @p2 $0x1082  }
0x22: {  	[simem:s7], [sflag:s8] =	dma.local @!p0 [hbm:s6], $0xF7A  }
0x23: {  	s9 =	sor.u32 $0xD0000000, s2;
	s6 =	simm.s32 $0x108;
	_ =	swait.ge @!p0 [sflag:s8], $0x0  }
0x24: {  	s3 =	sadd.s32 $0x88, s3;
	s6 =	simm.s32 @!p1 $0x1082;
	[sflag:s4] =	ssyncset.s32 $0xFFFFF086  }
0x25: {  	[simem:s6], [sflag:s4] =	dma.local [hbm:s3], $0xF7A  }
0x26: {  	[smem:$0x3F80] =	sst s1;
	(tag) =	ssettag s2;
	_ =	strace s9  }
0x27: {  	s1 =	sld [smem:$0x3F90]  }
0x28: {  	s2 =	sld [smem:$0x3F91]  }
0x29: {  	s4 =	sld [smem:$0x3F93]  }
0x2a: {  	p0 =	seq.s32 s5, $0x0;
	s5 =	sld [smem:$0x3F94]  }
0x2b: {  	s6 =	sld [smem:$0x3F95]  }
0x2c: {  	s7 =	sld [smem:$0x3F96]  }
0x2d: {  	s3 =	simm.s32 $0x108;
	s8 =	sld [smem:$0x3F97]  }
0x2e: {  	s3 =	simm.s32 @!p0 $0x1082;
	s9 =	sld [smem:$0x3F98]  }
0x2f: {  	lr =	sadd.s32 s0, s3;
	s0 =	sld [smem:$0x3F8F]  }
0x30: {  	s3 =	sld [smem:$0x3F92]  }
0x31: {  	[smem:$0x3F9B] =	sst s10  }
0x32: {  	s10 =	sld [smem:$0x3F99];
	_ =	sdelay $0x3  }
0x33: {  	p0 =	seq.s32 s10, $0x1;
	s10 =	sld [smem:$0x3F9B];
	_ =	sdelay $0x3  }
0x34: {  	[smem:$0x3F9B] =	sst s10  }
0x35: {  	s10 =	sld [smem:$0x3F9A];
	_ =	sdelay $0x3  }
0x36: {  	p1 =	seq.s32 s10, $0x1;
	s10 =	sld [smem:$0x3F9B];
	_ =	sdelay $0x3  }
0x37: {  	[smem:$0x3F9B] =	sst s10  }
0x38: {  	s10 =	sld [smem:$0x3F9C]  }
0x39: {  	_ = 	snop;
	(pc) =	sbr.ind lr, $3  }
0x3a: {  	_ = 	snop  }
0x3b: {  	_ = 	snop  }
0x3c: {  	p2 =	seq.s32 s10, $0x1;
	s10 =	sld [smem:$0x3F9B]  }
0x3d: {  	_ =	shalt  }
0x3e: {  	_ =	shalt  }
0x3f: {  	_ =	shalt  }
0x40: {  	_ =	shalt  }
0x41: {  	_ =	shalt  }
0x42: {  	_ =	shalt  }
0x43: {  	_ =	shalt  }
0x44: {  	_ =	shalt  }
0x45: {  	_ =	shalt  }
0x46: {  	_ =	shalt  }
0x47: {  	_ =	shalt  }
0x48: {  	_ =	shalt  }
0x49: {  	_ =	shalt  }
0x4a: {  	_ =	shalt  }
0x4b: {  	_ =	shalt  }
0x4c: {  	_ =	shalt  }
0x4d: {  	_ =	shalt  }
0x4e: {  	_ =	shalt  }
0x4f: {  	_ =	shalt  }
0x50: {  	_ =	shalt  }
0x51: {  	_ =	shalt  }
0x52: {  	_ =	shalt  }
0x53: {  	_ =	shalt  }
0x54: {  	_ =	shalt  }
0x55: {  	_ =	shalt  }
0x56: {  	_ =	shalt  }
0x57: {  	_ =	shalt  }
0x58: {  	_ =	shalt  }
0x59: {  	_ =	shalt  }
0x5a: {  	_ =	shalt  }
0x5b: {  	_ =	shalt  }
0x5c: {  	_ =	shalt  }
0x5d: {  	_ =	shalt  }
0x5e: {  	_ =	shalt  }
0x5f: {  	_ =	shalt  }
0x60: {  	_ =	shalt  }
0x61: {  	_ =	shalt  }
0x62: {  	_ =	shalt  }
0x63: {  	_ =	shalt  }
0x64: {  	_ =	shalt  }
0x65: {  	_ =	shalt  }
0x66: {  	_ =	shalt  }
0x67: {  	_ =	shalt  }
0x68: {  	_ =	shalt  }
0x69: {  	_ =	shalt  }
0x6a: {  	_ =	shalt  }
0x6b: {  	_ =	shalt  }
0x6c: {  	_ =	shalt  }
0x6d: {  	_ =	shalt  }
0x6e: {  	_ =	shalt  }
0x6f: {  	_ =	shalt  }
0x70: {  	_ =	shalt  }
0x71: {  	_ =	shalt  }
0x72: {  	_ =	shalt  }
0x73: {  	_ =	shalt  }
0x74: {  	_ =	shalt  }
0x75: {  	_ =	shalt  }
0x76: {  	_ =	shalt  }
0x77: {  	_ =	shalt  }
0x78: {  	_ =	shalt  }
0x79: {  	_ =	shalt  }
0x7a: {  	_ =	shalt  }
0x7b: {  	_ =	shalt  }
0x7c: {  	_ =	shalt  }
0x7d: {  	_ =	shalt  }
0x7e: {  	_ =	shalt  }
0x7f: {  	_ =	shalt  }
0x80: {  	_ =	shalt  }
0x81: {  	_ =	shalt  }
0x82: {  	_ =	shalt  }
0x83: {  	_ =	shalt  }
0x84: {  	_ =	shalt  }
0x85: {  	_ =	shalt  }
0x86: {  	_ =	shalt  }
0x87: {  	_ =	shalt  }
.Lfunc_end0:
.L_simem_size_0:
called_computation.1_lowered:
.L_overlay_start_0:
0x88: {  	s2 =	sld [smem:$0x3FD9]  }
0x89: {  	s3 =	sld [smem:$0x3FFE];
	_ =	sdelay $0x1  }
0x8a: {  	s1 =	srdreg.scid  }
0x8b: {  	s0 =	sand.u32 $0x1, s1  }
0x8c: {  	s16 =	sshll.u32 s0, $0xA;
	s2 =	sadd.s32 s3, s2  }
0x8d: {  	s2 =	sadd.s32 s2, s16  }
0x8e: {  	[smem:$0x3FA7] =	sst s2  }
0x8f: {  	_ = 	snop  }
0x90: {  	(tm) =	ssettm $0x1  }
0x91: {  	s17 =	sld [smem:$0x3FFB];
	_ =	sdelay $0x3  }
0x92: {  	_ =	strace s17  }
0x93: {  	s2 =	sld [smem:$0x3FFC];
	_ =	sdelay $0x3  }
0x94: {  	_ =	strace s2  }
0x95: {  	s2 =	sld [smem:$0x3FFD];
	_ =	sdelay $0x3  }
0x96: {  	_ =	strace s2  }
0x97: {  	_ =	strace $0x8FFFFFFF  }
0x98: {  	s18 =	sld [smem:$0x3FDB];
	_ =	sdelay $0x1  }
0x99: {  	s19 =	simm.s32 $_scs_section_size  }
0x9a: {  	s4 =	simm.s32 $_size__tile_overlayer_lowered;
	s5 =	simm.s32 $_tile_overlayer_lowered  }
0x9b: {  	s22 =	simm.s32 $0x1BFF;
	s21 =	sshll.u32 s5, $0x1;
	s2 =	sadd.s32 s19, s18  }
0x9c: {  	s6 =	simm.s32 $0x0;
	s20 =	sshll.u32 s4, $0x1;
	s4 =	sadd.s32 s21, s2  }
0x9d: {  	[timem:s6], [sflag:s22] =	dma.local [hbm:s4], s20  }
0x9e: {  	_ =	swait.ge [sflag:s22], s20  }
0x9f: {  	s3 =	ssub.s32 $0x0, s20;
	[sflag:s22] =	ssyncset.done $0x0  }
0xa0: {  	[sflag:s22] =	ssyncadd.s32 s3;
	_ =	sdelay $0x1  }
0xa1: {  	s23 =	simm.s32 $0x1B8B  }
0xa2: {  	_ =	swait.ge [sflag:s23], $0x1  }
0xa3: {  	[sflag:s23] =	ssyncset.done $0x0  }
0xa4: {  	s25 =	simm.s32 $0x1B8E;
	s24 =	sld [smem:$0x3FFE];
	[sflag:s23] =	ssyncadd.s32 $0xFFFFFFFF  }
0xa5: {  	s26 =	simm.s32 $execute0_lowered;
	[smem:$0x3FD2] =	sst s25  }
0xa6: {  	s4 =	sshll.u32 s26, $0x1;
	_ =	strace $0x80000049;
	[dreg:$0x1] =	wrdreg $0xFFFFFFFF  }
0xa7: {  	s28 =	simm.s32 $_size_execute0_lowered;
	s2 =	sadd.s32 s2, s4;
	[dreg:$0x0] =	wrdreg $0x0  }
0xa8: {  	s4 =	sshll.u32 s28, $0x1;
	[dreg:$0x2] =	wrdreg s2  }
0xa9: {  	[dreg:$0x3] =	wrdreg s4  }
0xaa: {  	[dreg:$0x4] =	wrdreg $0xC0  }
0xab: {  	_ =	task [dreg:s6], $0x5FFFF  }
0xac: {  	[dreg:$0x1] =	wrdreg $0xFFFFFFFF  }
0xad: {  	[dreg:$0x0] =	wrdreg $0x60  }
0xae: {  	[dreg:$0x2] =	wrdreg s24  }
0xaf: {  	[dreg:$0x3] =	wrdreg $0x94000  }
0xb0: {  	[dreg:$0x4] =	wrdreg $0x9  }
0xb1: {  	_ =	task.clear_ibuf [dreg:s6], $0x5FFFF;
	_ =	strace $0x90000049  }
0xb2: {  	s29 =	simm.s32 $0x9;
	_ =	strace $0x8000004B  }
0xb3: {  	_ =	swait.ge [sflag:s29], $0x1  }
0xb4: {  	[sflag:s29] =	ssyncadd.s32 $0xFFFFFFFF  }
0xb5: {  	_ =	strace $0x9000004B  }
0xb6: {  	_ =	sfence  }
0xb7: {  	s30 =	sld [smem:$0x0];
	_ =	sdelay $0x2  }
0xb8: {  	s31 =	sshll.u32 s1, $0xD;
	s1 =	sshrl.u32 s1, $0x2  }
0xb9: {  	s3 =	sand.u32 $0x4000, s31;
	s1 =	sadd.s32 s1, s30  }
0xba: {  	s0 =	sor.u32 s3, s0;
	s1 =	sshll.u32 s1, $0x11  }
0xbb: {  	s0 =	sor.u32 s1, s0  }
0xbc: {  	s0 =	sadd.s32 $0x8F2B, s0  }
0xbd: {  	[sflag:s0] =	ssyncadd.remote.s32 $0x1  }
0xbe: {  	_ =	sfence.sel $0xFFFF  }
0xbf: {  	[dreg:$0x0] =	wrdreg $0xFFFFFFFF;
	(pc) =	sbr.abs _section_cstart, $3  }
0xc0: {  	[dreg:$0x1] =	wrdreg $0xFFFFFFFF  }
0xc1: {  	_ =	task.clear_ibuf [dreg:s6], $0x2FFFF;
	_ =	strace $0x9FFFFFFF  }
0xc2: {  	(tm) =	ssettm $0x7FFFFFFF  }
0xc3: {  	_ =	shalt  }
tec
execute0_lowered:
.L_overlay_start_1:
0x0: {  	(tag) =	ssettag $0x1  }
0x1: {  	s24 =	stileid.u32  }
0x2: {  	s0 =	srdreg.scid;
	s5 =	smul.u32 $0x28, s24  }
0x3: {  	s1 =	rddreg [dreg:$0x0];
	s25 =	smul.u32 $0x4E000, s24  }
0x4: {  	s2 =	rddreg [dreg:$0x1];
	s19 =	sadd.s32 $0xA4F200, s1;
	s22 =	smul.u32 $0x13800, s24  }
0x5: {  	s18 =	sand.u32 $0x1, s0;
	s11 =	sadd.s32 $0x124800, s2;
	s29 =	smul.u32 $0x14000, s24  }
0x6: {  	s3 =	simm.s32 $0x0;
	s15 =	sadd.s32 $0x134800, s2;
	s4 =	smul.u32 $0x280, s18  }
0x7: {  	[smem:$0x7FF] =	sst s3;
	p0 =	seq.s32 s24, $0xF;
	s21 =	smul.u32 $0x138800, s18  }
0x8: {  	_ =	strace $0x8000004A;
	s12 =	ssub.s32 $0x2, s18;
	s23 =	smul.u32 $0x140000, s18  }
0x9: {  	s13 =	sshrl.u32 s12, $0x1;
	s14 =	sadd.s32 s5, s4;
	s5 =	sshrl.u32 s25, $0x2  }
0xa: {  	s20 =	ssub.s32 s12, s13;
	s12 =	sadd.s32 $0x128800, s2;
	s13 =	sadd.s32 $0x12C800, s2  }
0xb: {  	s22 =	sadd.s32 s22, s21;
	s21 =	sshrl.u32 s21, $0x3;
	s30 =	sadd.s32 s23, s19  }
0xc: {  	s25 =	simm.s32 $0x0;
	s4 =	sshll.u32 s14, $0x4;
	s26 =	ssub.s32 $0x4E2, s14  }
0xd: {  	s5 =	sadd.s32 s5, s2;
	s16 =	sshll.u32 s14, $0xB;
	s14 =	sadd.s32 $0x130800, s2  }
0xe: {  	s28 =	sshrl.u32 s22, $0x3;
	s20 =	smax.u32 s20, $0x1;
	s31 =	sadd.s32 s29, s30  }
0xf: {  	s22 =	simm.s32 $0x3;
	s6 =	sadd.s32 s4, s1;
	s1 =	sadd.s32 $0xFE00, s1  }
0x10: {  	s4 =	smin.u32 s26, $0x28;
	s7 =	sadd.s32 $0x4000, s5;
	s8 =	sadd.s32 $0x8000, s5  }
0x11: {  	s9 =	sadd.s32 $0xC000, s5;
	s10 =	sadd.s32 $0x10000, s5;
	s16 =	sadd.s32 s19, s16  }
0x12: {  	s6 =	sadd.s32 $0xAE00, s6;
	s18 =	sadd.s32 s1, s28;
	s1 =	sadd.s32 s1, s21  }
0x13: {  	v0 =	vimm.f32 $0.0e+00;
	s17 =	sadd.s32 $0x800, s16;
	s21 =	sadd.s32 $0x1000, s31;
	s19 =	sadd.s32 $0x24900, s1  }
.LBB2_1:
0x14: {  	s0 =	simm.s32 $0x0  }
0x15: {  	[tilespmem:s0], [sflag:$0x3] =	stream.linear.gather [hbm4b:s6+s0], $0x1400, $0x38;
	[tilespmem:$0x1CC80] =	vst v63  }
0x16: {  	_ =	swait.ge [sflag:s22], $0x1400  }
0x17: {  	[sflag:s22] =	ssyncset.done $0x0  }
0x18: {  	s26 =	simm.s32 $0x0;
	s28 =	simm.s32 $0x200;
	[sflag:s22] =	ssyncadd.s32 $0xFFFFEC00  }
.LBB2_2:
0x19: {  	p1 =	sne.s32 s28, $0xFE00;
	[tilespmem:s26+$0x1470] =	vst v0  }
0x1a: {  	[tilespmem:s26+$0x1400] =	vst v0  }
0x1b: {  	[tilespmem:s26+$0x1410] =	vst v0  }
.Ltmp0:
0x1c: {  	[tilespmem:s26+$0x1420] =	vst v0;
	(pc) =	sbr.rel @p1 .LBB2_2-.Ltmp0, $4  }
0x1d: {  	[tilespmem:s26+$0x1430] =	vst v0  }
0x1e: {  	[tilespmem:s26+$0x1440] =	vst v0  }
0x1f: {  	[tilespmem:s26+$0x1450] =	vst v0  }
0x20: {  	[tilespmem:s26+$0x1460] =	vst v0;
	s26 =	sshra.s32 s28, $0x2;
	s28 =	sadd.s32 $0x200, s28  }
0x21: {  	[tilespmem:s26+$0x1470] =	vst v0  }
0x22: {  	[tilespmem:s26+$0x1400] =	vst v0  }
0x23: {  	[tilespmem:s26+$0x1410] =	vst v0  }
0x24: {  	[tilespmem:s26+$0x1420] =	vst v0  }
0x25: {  	[tilespmem:s26+$0x1430] =	vst v0  }
0x26: {  	[tilespmem:s26+$0x1440] =	vst v0  }
0x27: {  	[tilespmem:s26+$0x1450] =	vst v0  }
0x28: {  	[tilespmem:s26+$0x1460] =	vst v0;
	s1 =	simm.s32 @p0 $0x1400;
	s26 =	simm.s32 @p0 $0x3  }
0x29: {  	[spmem:s11] =	stream.linear.scatter @p0 [tilespmem:s1], [sflag:$0x3], $0x4000, $0x38;
	[tilespmem:$0x1CC80] =	vst v63  }
0x2a: {  	_ =	swait.ge @p0 [sflag:s26], $0x4000  }
0x2b: {  	[sflag:s26] =	ssyncset.done @p0 $0x0  }
0x2c: {  	[sflag:s26] =	ssyncadd.s32 @p0 $0xFFFFC000  }
0x2d: {  	[spmem:s12] =	stream.linear.scatter @p0 [tilespmem:s1], [sflag:$0x3], $0x4000, $0x38;
	[tilespmem:$0x1CC80] =	vst v63  }
0x2e: {  	_ =	swait.ge @p0 [sflag:s26], $0x4000  }
0x2f: {  	[sflag:s26] =	ssyncset.done @p0 $0x0  }
0x30: {  	[sflag:s26] =	ssyncadd.s32 @p0 $0xFFFFC000  }
0x31: {  	[spmem:s13] =	stream.linear.scatter @p0 [tilespmem:s1], [sflag:$0x3], $0x4000, $0x38;
	[tilespmem:$0x1CC80] =	vst v63  }
0x32: {  	_ =	swait.ge @p0 [sflag:s26], $0x4000  }
0x33: {  	[sflag:s26] =	ssyncset.done @p0 $0x0  }
0x34: {  	[sflag:s26] =	ssyncadd.s32 @p0 $0xFFFFC000  }
0x35: {  	[spmem:s14] =	stream.linear.scatter @p0 [tilespmem:s1], [sflag:$0x3], $0x4000, $0x38;
	[tilespmem:$0x1CC80] =	vst v63  }
0x36: {  	_ =	swait.ge @p0 [sflag:s26], $0x4000  }
0x37: {  	[sflag:s26] =	ssyncset.done @p0 $0x0  }
0x38: {  	[sflag:s26] =	ssyncadd.s32 @p0 $0xFFFFC000  }
0x39: {  	[spmem:s15] =	stream.linear.scatter @p0 [tilespmem:s1], [sflag:$0x3], $0x4000, $0x38;
	[tilespmem:$0x1CC80] =	vst v63  }
0x3a: {  	_ =	swait.ge @p0 [sflag:s26], $0x4000  }
0x3b: {  	[sflag:s26] =	ssyncset.done @p0 $0x0  }
0x3c: {  	s1 =	simm.s32 @!p0 $0x1400;
	[sflag:s26] =	ssyncadd.s32 @p0 $0xFFFFC000;
	s26 =	simm.s32 @!p0 $0x3  }
0x3d: {  	[spmem:s5] =	stream.linear.scatter @!p0 [tilespmem:s1], [sflag:$0x3], $0x4000, $0x38;
	[tilespmem:$0x1CC80] =	vst v63  }
0x3e: {  	_ =	swait.ge @!p0 [sflag:s26], $0x4000  }
0x3f: {  	[sflag:s26] =	ssyncset.done @!p0 $0x0  }
0x40: {  	[sflag:s26] =	ssyncadd.s32 @!p0 $0xFFFFC000  }
0x41: {  	[spmem:s7] =	stream.linear.scatter @!p0 [tilespmem:s1], [sflag:$0x3], $0x4000, $0x38;
	[tilespmem:$0x1CC80] =	vst v63  }
0x42: {  	_ =	swait.ge @!p0 [sflag:s26], $0x4000  }
0x43: {  	[sflag:s26] =	ssyncset.done @!p0 $0x0  }
0x44: {  	[sflag:s26] =	ssyncadd.s32 @!p0 $0xFFFFC000  }
0x45: {  	[spmem:s8] =	stream.linear.scatter @!p0 [tilespmem:s1], [sflag:$0x3], $0x4000, $0x38;
	[tilespmem:$0x1CC80] =	vst v63  }
0x46: {  	_ =	swait.ge @!p0 [sflag:s26], $0x4000  }
0x47: {  	[sflag:s26] =	ssyncset.done @!p0 $0x0  }
0x48: {  	[sflag:s26] =	ssyncadd.s32 @!p0 $0xFFFFC000  }
0x49: {  	[spmem:s9] =	stream.linear.scatter @!p0 [tilespmem:s1], [sflag:$0x3], $0x4000, $0x38;
	[tilespmem:$0x1CC80] =	vst v63  }
0x4a: {  	_ =	swait.ge @!p0 [sflag:s26], $0x4000  }
0x4b: {  	[sflag:s26] =	ssyncset.done @!p0 $0x0  }
0x4c: {  	[sflag:s26] =	ssyncadd.s32 @!p0 $0xFFFFC000  }
0x4d: {  	[spmem:s10] =	stream.linear.scatter @!p0 [tilespmem:s1], [sflag:$0x3], $0x3800, $0x38;
	[tilespmem:$0x1CC80] =	vst v63  }
0x4e: {  	_ =	swait.ge @!p0 [sflag:s26], $0x3800  }
0x4f: {  	[sflag:s26] =	ssyncset.done @!p0 $0x0  }
0x50: {  	[sflag:s26] =	ssyncadd.s32 @!p0 $0xFFFFC800  }
0x51: {  	s0 =	simm.s32 $0x1400;
	s1 =	simm.s32 $0x0;
	[bflag:$0x0] =	sbarrier.arrive $0xFFFF  }
0x52: {  	[tilespmem:s0], [sflag:$0x1] =	stream.linear.gather [hbm4b:s16+s1], $0x4000, $0x38;
	[tilespmem:$0x1CC80] =	vst v63  }
0x53: {  	p1 =	sle.u32 s4, $0x0;
	s26 =	simm.s32 $0x5400  }
0x54: {  	[tilespmem:s26], [sflag:$0x2] =	stream.linear.gather [hbm4b:s17+s1], $0x4000, $0x38;
	[tilespmem:$0x1CC80] =	vst v63  }
0x55: {  	s26 =	simm.s32 @!p1 $0x1  }
0x56: {  	_ =	swait.ge @!p1 [sflag:s26], $0x4000  }
0x57: {  	p2 =	sle.u32 @!p1 s4, $0x2;
	s28 =	simm.s32 @!p1 $0x3;
	[sflag:s26] =	ssyncset.done @!p1 $0x0  }
0x58: {  	s29 =	simm.s32 @!p1 $0x1400;
	[sflag:s26] =	ssyncadd.s32 @!p1 $0xFFFFC000;
	s26 =	simm.s32 @!p1 $0x80  }
0x59: {  	[spmem:s2] =	stream.indirect.scatter.add.f32 @!p1 [tilespmem:s29], [sflag:$0x3], $0x80, s1, s26, $0xb8;
	[tilespmem:$0x1CC80] =	vst v63  }
0x5a: {  	p2 =	por p2, p1;
	_ =	swait.ge @!p1 [sflag:s28], $0x4000  }
0x5b: {  	s1 =	simm.s32 @!p2 $0x1400;
	[sflag:s28] =	ssyncset.done @!p1 $0x0  }
0x5c: {  	s26 =	simm.s32 @!p2 $0x0;
	[sflag:s28] =	ssyncadd.s32 @!p1 $0xFFFFC000;
	p1 =	sle.u32 s4, $0x1  }
0x5d: {  	[tilespmem:s1], [sflag:$0x1] =	stream.linear.gather @!p2 [hbm4b:s21+s26], $0x4000, $0x38;
	[tilespmem:$0x1CC80] =	vst v63  }
0x5e: {  	s28 =	sadd.s32 $0x1000, s21;
	s1 =	simm.s32 @!p1 $0x2  }
0x5f: {  	s29 =	simm.s32 @!p1 $0x80;
	s31 =	simm.s32 @!p1 $0x5400;
	_ =	swait.ge @!p1 [sflag:s1], $0x4000  }
0x60: {  	s3 =	simm.s32 @!p1 $0x80;
	p2 =	sle.u32 @!p1 s4, $0x3;
	[sflag:s1] =	ssyncset.done @!p1 $0x0  }
0x61: {  	s30 =	simm.s32 @!p1 $0x3;
	p4 =	por p2, p1;
	[sflag:s1] =	ssyncadd.s32 @!p1 $0xFFFFC000  }
0x62: {  	[spmem:s2] =	stream.indirect.scatter.add.f32 @!p1 [tilespmem:s31], [sflag:$0x3], $0x80, s3, s29, $0xb8;
	[tilespmem:$0x1CC80] =	vst v63  }
0x63: {  	s26 =	simm.s32 $0x2;
	s1 =	simm.s32 @!p4 $0x5400;
	_ =	swait.ge @!p1 [sflag:s30], $0x4000  }
0x64: {  	s29 =	simm.s32 $0x100;
	s31 =	sadd.s32 @!p4 $0x800, s21;
	[sflag:s30] =	ssyncset.done @!p1 $0x0  }
.LBB2_4:
0x65: {  	p3 =	sge.u32 s26, s4;
	[sflag:s30] =	ssyncadd.s32 @!p1 $0xFFFFC000  }
0x66: {  	s3 =	simm.s32 @!p4 $0x0;
	s30 =	smov.u32 s26;
	s0 =	smov.u32 s28  }
0x67: {  	[tilespmem:s1], [sflag:$0x2] =	stream.linear.gather @!p4 [hbm4b:s31+s3], $0x4000, $0x38;
	[tilespmem:$0x1CC80] =	vst v63  }
0x68: {  	s26 =	sadd.s32 $0x2, s26;
	s1 =	simm.s32 @!p3 $0x1;
	s3 =	sadd.s32 @!p3 $0x2, s30  }
0x69: {  	p2 =	sne.s32 s26, $0x28;
	p1 =	sge.u32 @!p3 s3, s4;
	_ =	swait.ge @!p3 [sflag:s1], $0x4000  }
0x6a: {  	s3 =	simm.s32 @!p3 $0x3;
	p4 =	por p1, p3;
	[sflag:s1] =	ssyncset.done @!p3 $0x0  }
0x6b: {  	s31 =	simm.s32 @!p3 $0x1400;
	[sflag:s1] =	ssyncadd.s32 @!p3 $0xFFFFC000;
	s1 =	simm.s32 @!p3 $0x80  }
0x6c: {  	[spmem:s2] =	stream.indirect.scatter.add.f32 @!p3 [tilespmem:s31], [sflag:$0x3], $0x80, s29, s1, $0xb8;
	[tilespmem:$0x1CC80] =	vst v63  }
0x6d: {  	_ =	swait.ge @!p3 [sflag:s3], $0x4000  }
0x6e: {  	s1 =	simm.s32 @!p4 $0x1400;
	s31 =	sadd.s32 $0x1, s30;
	[sflag:s3] =	ssyncset.done @!p3 $0x0  }
0x6f: {  	p1 =	sge.u32 s31, s4;
	[sflag:s3] =	ssyncadd.s32 @!p3 $0xFFFFC000;
	s3 =	simm.s32 @!p4 $0x0  }
0x70: {  	[tilespmem:s1], [sflag:$0x1] =	stream.linear.gather @!p4 [hbm4b:s28+s3], $0x4000, $0x38;
	[tilespmem:$0x1CC80] =	vst v63  }
0x71: {  	s1 =	simm.s32 @!p1 $0x2;
	s3 =	sadd.s32 @!p1 $0x3, s30;
	s28 =	sadd.s32 $0x1000, s28  }
0x72: {  	s31 =	simm.s32 @!p1 $0x80;
	s23 =	simm.s32 @!p1 $0x5400;
	_ =	swait.ge @!p1 [sflag:s1], $0x4000  }
.Ltmp1:
0x73: {  	s24 =	sadd.s32 @!p1 $0x80, s29;
	[sflag:s1] =	ssyncset.done @!p1 $0x0;
	(pc) =	sbr.rel @p2 .LBB2_4-.Ltmp1, $4  }
0x74: {  	s30 =	simm.s32 @!p1 $0x3;
	p3 =	sge.u32 @!p1 s3, s4;
	[sflag:s1] =	ssyncadd.s32 @!p1 $0xFFFFC000  }
0x75: {  	[spmem:s2] =	stream.indirect.scatter.add.f32 @!p1 [tilespmem:s23], [sflag:$0x3], $0x80, s24, s31, $0xb8;
	[tilespmem:$0x1CC80] =	vst v63  }
0x76: {  	s29 =	sadd.s32 $0x100, s29;
	p4 =	por p3, p1;
	_ =	swait.ge @!p1 [sflag:s30], $0x4000  }
0x77: {  	s1 =	simm.s32 @!p4 $0x5400;
	s31 =	sadd.s32 @!p4 $0x800, s0;
	[sflag:s30] =	ssyncset.done @!p1 $0x0  }
0x78: {  	[sflag:s30] =	ssyncadd.s32 @!p1 $0xFFFFC000;
	s0 =	simm.s32 @!p4 $0x0  }
0x79: {  	[tilespmem:s1], [sflag:$0x2] =	stream.linear.gather @!p4 [hbm4b:s31+s0], $0x4000, $0x38;
	[tilespmem:$0x1CC80] =	vst v63  }
0x7a: {  	s0 =	sshrl.u32 @p0 s11, $0x3;
	s1 =	simm.s32 @p0 $0x1FC3;
	[bflag:$0x0] =	sbarrier.arrive $0xFFFF  }
0x7b: {  	[hbm:s19], [sflag:s1] =	dma.local @p0 [spmem:s0], $0x2800  }
0x7c: {  	s0 =	simm.s32 @p0 $0x3  }
0x7d: {  	s25 =	sadd.s32 $0x1, s25;
	s1 =	stileid.u32;
	_ =	swait.ge @p0 [sflag:s0], $0x2800  }
0x7e: {  	p1 =	sne.s32 s25, s20;
	s1 =	sshll.u32 @!p0 s1, $0x6;
	[sflag:s0] =	ssyncset.done @p0 $0x0  }
0x7f: {  	[sflag:s0] =	ssyncadd.s32 @p0 $0xFFFFD800;
	s0 =	sor.u32 @!p0 $0x1C03, s1;
	s1 =	sshrl.u32 @!p0 s5, $0x3  }
0x80: {  	[hbm:s18], [sflag:s0] =	dma.local @!p0 [spmem:s1], $0x2700  }
.Ltmp2:
0x81: {  	_ = 	snop;
	(pc) =	sbr.rel @p1 .LBB2_1-.Ltmp2, $4  }
0x82: {  	s0 =	simm.s32 @!p0 $0x3  }
0x83: {  	_ =	swait.ge @!p0 [sflag:s0], $0x2700  }
0x84: {  	[sflag:s0] =	ssyncset.done @!p0 $0x0  }
0x85: {  	[sflag:s0] =	ssyncadd.s32 @!p0 $0xFFFFD900  }
0x86: {  	_ =	sfence.sel $0x180000  }
0x87: {  	[bflag:$0x0] =	sbarrier.arrive $0xFFFF  }
0x88: {  	_ =	strace $0x9000004A  }
0x89: {  	s0 =	stileid.u32;
	[bflag:$0x2] =	sbarrier.arrive $0xFFFF  }
0x8a: {  	p0 =	sne.s32 s0, $0x0;
	s0 =	rddreg [dreg:$0x2]  }
0x8b: {  	s0 =	sadd.s32 @!p0 $0x100000, s0  }
0x8c: {  	[sflag:s0] =	ssyncadd.tile.s32 @!p0 $0x1;
	_ =	shalt  }
.Lfunc_end2:
_tile_overlayer_lowered:
.L_overlay_start_2:
0x8d: {  	(tag) =	ssettag $0x2  }
0x8e: {  	s0 =	rddreg [dreg:$0x0];
	s2 =	stileid.u32  }
0x8f: {  	s1 =	rddreg [dreg:$0x1];
	p0 =	sne.s32 s2, $0x0  }
0x90: {  	s3 =	rddreg [dreg:$0x2];
	[bflag:$0x3] =	sbarrier.arrive $0xFFFF;
	s2 =	simm.s32 @!p0 $0x1C03  }
0x91: {  	[timem:s3], [sflag:s2] =	dma.local @!p0 [hbm:s0], s1  }
0x92: {  	s0 =	simm.s32 @!p0 $0x3  }
0x93: {  	_ =	swait.ge @!p0 [sflag:s0], s1  }
0x94: {  	s1 =	ssub.s32 @!p0 $0x0, s1;
	[sflag:s0] =	ssyncset.done @!p0 $0x0  }
0x95: {  	[sflag:s0] =	ssyncadd.s32 @!p0 s1  }
0x96: {  	[bflag:$0x3] =	sbarrier.arrive $0xFFFF  }
0x97: {  	_ =	shalt  }

// kernel: kernel.7.cloned.1.call-start
scs
__scs_entry_jumppad:
0x0: {  	(pc) =	sbr.rel $0x88, $3  }
0x1: {  	(tag) =	ssettag $0x0;
	lr =	simm.s32 $0x1  }
0x2: {  	[smem:$0x3F80] =	sst lr;
	_ =	strace $0xD0000000  }
0x3: {  	_ = 	snop  }
0x4: {  	_ = 	snop  }
0x5: {  	_ = 	snop  }
0x6: {  	_ = 	snop  }
0x7: {  	_ = 	snop  }
__scs_overlays_trampoline_lowered:
0x8: {  	[smem:$0x3F8F] =	sst s0  }
0x9: {  	[smem:$0x3F90] =	sst s1  }
0xa: {  	[smem:$0x3F91] =	sst s2  }
0xb: {  	[smem:$0x3F92] =	sst s3  }
0xc: {  	[smem:$0x3F93] =	sst s4  }
0xd: {  	[smem:$0x3F94] =	sst s5  }
0xe: {  	[smem:$0x3F95] =	sst s6  }
0xf: {  	[smem:$0x3F96] =	sst s7  }
0x10: {  	[smem:$0x3F97] =	sst s8  }
0x11: {  	[smem:$0x3F98] =	sst s9;
	s0 =	simm.s32 @!p0 $0x0  }
0x12: {  	s1 =	sld [smem:$0x3F7E];
	s0 =	simm.s32 @p0 $0x1  }
0x13: {  	[smem:$0x3F99] =	sst s0;
	s0 =	simm.s32 @!p1 $0x0  }
0x14: {  	s2 =	sld [smem:$0x3F7D];
	s0 =	simm.s32 @p1 $0x1  }
0x15: {  	[smem:$0x3F9A] =	sst s0;
	s0 =	simm.s32 @!p2 $0x0  }
0x16: {  	s3 =	sld [smem:$0x3FDB];
	s0 =	simm.s32 @p2 $0x1  }
0x17: {  	s4 =	simm.s32 $0x1BF5;
	[smem:$0x3F9C] =	sst s0  }
0x18: {  	s0 =	sld [smem:$0x3F7F];
	_ =	swait.ge [sflag:s4], $0x0  }
0x19: {  	s7 =	sld [smem:$0x3F80]  }
0x1a: {  	s8 =	sadd.s32 $0xFFFFE003, lr  }
0x1b: {  	s9 =	sadd.s32 $0xFFFFFEF7, lr;
	s5 =	simm.s32 $0xFFFFFFFF;
	p2 =	slt.u32 s8, $0xFFFFF086  }
0x1c: {  	p1 =	slt.u32 s9, $0xF7A;
	s5 =	simm.s32 @!p2 $0x0  }
0x1d: {  	s5 =	simm.s32 @p1 $0x1;
	p0 =	seq.s32 s7, s2  }
0x1e: {  	s7 =	smul.u32 @!p0 $0xF7A, s2;
	p2 =	seq.s32 @!p0 s5, $0x0  }
0x1f: {  	s9 =	smul.u32 $0xF7A, s1;
	s8 =	simm.s32 @!p0 $0x1BF5;
	p2 =	por !p2, p0  }
0x20: {  	[sflag:s8] =	ssyncset.s32 @!p0 $0xFFFFF086;
	s6 =	sadd.s32 @!p0 s3, s7;
	s7 =	simm.s32 @!p0 $0x108  }
0x21: {  	s3 =	sadd.s32 s3, s9;
	s6 =	sadd.s32 @!p0 $0x88, s6;
	s7 =	simm.s32 @p2 $0x1082  }
0x22: {  	[simem:s7], [sflag:s8] =	dma.local @!p0 [hbm:s6], $0xF7A  }
0x23: {  	s9 =	sor.u32 $0xD0000000, s2;
	s6 =	simm.s32 $0x108;
	_ =	swait.ge @!p0 [sflag:s8], $0x0  }
0x24: {  	s3 =	sadd.s32 $0x88, s3;
	s6 =	simm.s32 @!p1 $0x1082;
	[sflag:s4] =	ssyncset.s32 $0xFFFFF086  }
0x25: {  	[simem:s6], [sflag:s4] =	dma.local [hbm:s3], $0xF7A  }
0x26: {  	[smem:$0x3F80] =	sst s1;
	(tag) =	ssettag s2;
	_ =	strace s9  }
0x27: {  	s1 =	sld [smem:$0x3F90]  }
0x28: {  	s2 =	sld [smem:$0x3F91]  }
0x29: {  	s4 =	sld [smem:$0x3F93]  }
0x2a: {  	p0 =	seq.s32 s5, $0x0;
	s5 =	sld [smem:$0x3F94]  }
0x2b: {  	s6 =	sld [smem:$0x3F95]  }
0x2c: {  	s7 =	sld [smem:$0x3F96]  }
0x2d: {  	s3 =	simm.s32 $0x108;
	s8 =	sld [smem:$0x3F97]  }
0x2e: {  	s3 =	simm.s32 @!p0 $0x1082;
	s9 =	sld [smem:$0x3F98]  }
0x2f: {  	lr =	sadd.s32 s0, s3;
	s0 =	sld [smem:$0x3F8F]  }
0x30: {  	s3 =	sld [smem:$0x3F92]  }
0x31: {  	[smem:$0x3F9B] =	sst s10  }
0x32: {  	s10 =	sld [smem:$0x3F99];
	_ =	sdelay $0x3  }
0x33: {  	p0 =	seq.s32 s10, $0x1;
	s10 =	sld [smem:$0x3F9B];
	_ =	sdelay $0x3  }
0x34: {  	[smem:$0x3F9B] =	sst s10  }
0x35: {  	s10 =	sld [smem:$0x3F9A];
	_ =	sdelay $0x3  }
0x36: {  	p1 =	seq.s32 s10, $0x1;
	s10 =	sld [smem:$0x3F9B];
	_ =	sdelay $0x3  }
0x37: {  	[smem:$0x3F9B] =	sst s10  }
0x38: {  	s10 =	sld [smem:$0x3F9C]  }
0x39: {  	_ = 	snop;
	(pc) =	sbr.ind lr, $3  }
0x3a: {  	_ = 	snop  }
0x3b: {  	_ = 	snop  }
0x3c: {  	p2 =	seq.s32 s10, $0x1;
	s10 =	sld [smem:$0x3F9B]  }
0x3d: {  	_ =	shalt  }
0x3e: {  	_ =	shalt  }
0x3f: {  	_ =	shalt  }
0x40: {  	_ =	shalt  }
0x41: {  	_ =	shalt  }
0x42: {  	_ =	shalt  }
0x43: {  	_ =	shalt  }
0x44: {  	_ =	shalt  }
0x45: {  	_ =	shalt  }
0x46: {  	_ =	shalt  }
0x47: {  	_ =	shalt  }
0x48: {  	_ =	shalt  }
0x49: {  	_ =	shalt  }
0x4a: {  	_ =	shalt  }
0x4b: {  	_ =	shalt  }
0x4c: {  	_ =	shalt  }
0x4d: {  	_ =	shalt  }
0x4e: {  	_ =	shalt  }
0x4f: {  	_ =	shalt  }
0x50: {  	_ =	shalt  }
0x51: {  	_ =	shalt  }
0x52: {  	_ =	shalt  }
0x53: {  	_ =	shalt  }
0x54: {  	_ =	shalt  }
0x55: {  	_ =	shalt  }
0x56: {  	_ =	shalt  }
0x57: {  	_ =	shalt  }
0x58: {  	_ =	shalt  }
0x59: {  	_ =	shalt  }
0x5a: {  	_ =	shalt  }
0x5b: {  	_ =	shalt  }
0x5c: {  	_ =	shalt  }
0x5d: {  	_ =	shalt  }
0x5e: {  	_ =	shalt  }
0x5f: {  	_ =	shalt  }
0x60: {  	_ =	shalt  }
0x61: {  	_ =	shalt  }
0x62: {  	_ =	shalt  }
0x63: {  	_ =	shalt  }
0x64: {  	_ =	shalt  }
0x65: {  	_ =	shalt  }
0x66: {  	_ =	shalt  }
0x67: {  	_ =	shalt  }
0x68: {  	_ =	shalt  }
0x69: {  	_ =	shalt  }
0x6a: {  	_ =	shalt  }
0x6b: {  	_ =	shalt  }
0x6c: {  	_ =	shalt  }
0x6d: {  	_ =	shalt  }
0x6e: {  	_ =	shalt  }
0x6f: {  	_ =	shalt  }
0x70: {  	_ =	shalt  }
0x71: {  	_ =	shalt  }
0x72: {  	_ =	shalt  }
0x73: {  	_ =	shalt  }
0x74: {  	_ =	shalt  }
0x75: {  	_ =	shalt  }
0x76: {  	_ =	shalt  }
0x77: {  	_ =	shalt  }
0x78: {  	_ =	shalt  }
0x79: {  	_ =	shalt  }
0x7a: {  	_ =	shalt  }
0x7b: {  	_ =	shalt  }
0x7c: {  	_ =	shalt  }
0x7d: {  	_ =	shalt  }
0x7e: {  	_ =	shalt  }
0x7f: {  	_ =	shalt  }
0x80: {  	_ =	shalt  }
0x81: {  	_ =	shalt  }
0x82: {  	_ =	shalt  }
0x83: {  	_ =	shalt  }
0x84: {  	_ =	shalt  }
0x85: {  	_ =	shalt  }
0x86: {  	_ =	shalt  }
0x87: {  	_ =	shalt  }
.Lfunc_end0:
.L_simem_size_0:
called_computation_lowered:
.L_overlay_start_0:
0x88: {  	s2 =	sld [smem:$0x3FD9]  }
0x89: {  	s3 =	sld [smem:$0x3FFE];
	_ =	sdelay $0x1  }
0x8a: {  	s1 =	srdreg.scid  }
0x8b: {  	s0 =	sand.u32 $0x1, s1  }
0x8c: {  	s16 =	sshll.u32 s0, $0xA;
	s2 =	sadd.s32 s3, s2  }
0x8d: {  	s2 =	sadd.s32 s2, s16  }
0x8e: {  	[smem:$0x3FA7] =	sst s2  }
0x8f: {  	_ = 	snop  }
0x90: {  	(tm) =	ssettm $0x1  }
0x91: {  	s17 =	sld [smem:$0x3FFB];
	_ =	sdelay $0x3  }
0x92: {  	_ =	strace s17  }
0x93: {  	s2 =	sld [smem:$0x3FFC];
	_ =	sdelay $0x3  }
0x94: {  	_ =	strace s2  }
0x95: {  	s2 =	sld [smem:$0x3FFD];
	_ =	sdelay $0x3  }
0x96: {  	_ =	strace s2  }
0x97: {  	_ =	strace $0x8FFFFFFF  }
0x98: {  	s18 =	sld [smem:$0x3FDB];
	_ =	sdelay $0x1  }
0x99: {  	s19 =	simm.s32 $_scs_section_size  }
0x9a: {  	s4 =	simm.s32 $_size__tile_overlayer_lowered;
	s5 =	simm.s32 $_tile_overlayer_lowered  }
0x9b: {  	s22 =	simm.s32 $0x1BFF;
	s21 =	sshll.u32 s5, $0x1;
	s2 =	sadd.s32 s19, s18  }
0x9c: {  	s6 =	simm.s32 $0x0;
	s20 =	sshll.u32 s4, $0x1;
	s4 =	sadd.s32 s21, s2  }
0x9d: {  	[timem:s6], [sflag:s22] =	dma.local [hbm:s4], s20  }
0x9e: {  	_ =	swait.ge [sflag:s22], s20  }
0x9f: {  	s3 =	ssub.s32 $0x0, s20;
	[sflag:s22] =	ssyncset.done $0x0  }
0xa0: {  	[sflag:s22] =	ssyncadd.s32 s3;
	_ =	sdelay $0x1  }
0xa1: {  	s23 =	simm.s32 $0x1B8B  }
0xa2: {  	_ =	swait.ge [sflag:s23], $0x1  }
0xa3: {  	[sflag:s23] =	ssyncset.done $0x0  }
0xa4: {  	s25 =	simm.s32 $0x1B8E;
	s24 =	sld [smem:$0x3FFE];
	[sflag:s23] =	ssyncadd.s32 $0xFFFFFFFF  }
0xa5: {  	s26 =	simm.s32 $execute0_lowered;
	[smem:$0x3FD2] =	sst s25  }
0xa6: {  	s4 =	sshll.u32 s26, $0x1;
	_ =	strace $0x80000046;
	[dreg:$0x1] =	wrdreg $0xFFFFFFFF  }
0xa7: {  	s28 =	simm.s32 $_size_execute0_lowered;
	s2 =	sadd.s32 s2, s4;
	[dreg:$0x0] =	wrdreg $0x0  }
0xa8: {  	s4 =	sshll.u32 s28, $0x1;
	[dreg:$0x2] =	wrdreg s2  }
0xa9: {  	[dreg:$0x3] =	wrdreg s4  }
0xaa: {  	[dreg:$0x4] =	wrdreg $0xC0  }
0xab: {  	_ =	task [dreg:s6], $0x5FFFF  }
0xac: {  	[dreg:$0x1] =	wrdreg $0xFFFFFFFF  }
0xad: {  	[dreg:$0x0] =	wrdreg $0x60  }
0xae: {  	[dreg:$0x2] =	wrdreg s24  }
0xaf: {  	[dreg:$0x3] =	wrdreg $0x9  }
0xb0: {  	_ =	task.clear_ibuf [dreg:s6], $0x4FFFF;
	_ =	strace $0x90000046  }
0xb1: {  	s29 =	simm.s32 $0x9;
	_ =	strace $0x80000048  }
0xb2: {  	_ =	swait.ge [sflag:s29], $0x1  }
0xb3: {  	[sflag:s29] =	ssyncadd.s32 $0xFFFFFFFF  }
0xb4: {  	_ =	strace $0x90000048  }
0xb5: {  	_ =	sfence  }
0xb6: {  	s30 =	sld [smem:$0x0];
	_ =	sdelay $0x2  }
0xb7: {  	s31 =	sshll.u32 s1, $0xD;
	s1 =	sshrl.u32 s1, $0x2  }
0xb8: {  	s3 =	sand.u32 $0x4000, s31;
	s1 =	sadd.s32 s1, s30  }
0xb9: {  	s0 =	sor.u32 s3, s0;
	s1 =	sshll.u32 s1, $0x11  }
0xba: {  	s0 =	sor.u32 s1, s0  }
0xbb: {  	s0 =	sadd.s32 $0x8F2B, s0  }
0xbc: {  	[sflag:s0] =	ssyncadd.remote.s32 $0x1  }
0xbd: {  	_ =	sfence.sel $0xFFFF  }
0xbe: {  	[dreg:$0x0] =	wrdreg $0xFFFFFFFF;
	(pc) =	sbr.abs _section_cstart, $3  }
0xbf: {  	[dreg:$0x1] =	wrdreg $0xFFFFFFFF  }
0xc0: {  	_ =	task.clear_ibuf [dreg:s6], $0x2FFFF;
	_ =	strace $0x9FFFFFFF  }
0xc1: {  	(tm) =	ssettm $0x7FFFFFFF  }
tec
execute0_lowered:
.L_overlay_start_1:
0x0: {  	(tag) =	ssettag $0x1  }
0x1: {  	s1 =	srdreg.scid  }
0x2: {  	s0 =	stileid.u32;
	s5 =	rddreg [dreg:$0x0];
	s2 =	simm.s32 $0x0  }
0x3: {  	s15 =	simm.s32 $0x6;
	s16 =	simm.s32 $0x0;
	s10 =	smul.u32 $0x28000, s0  }
0x4: {  	s1 =	sand.u32 $0x1, s1;
	s3 =	sshll.u32 s0, $0x1;
	s13 =	smul.u32 $0x50, s0  }
0x5: {  	[smem:$0x7FF] =	sst s2;
	s4 =	sadd.s32 $0x37000, s5;
	s12 =	smul.u32 $0x14000, s1  }
0x6: {  	s6 =	sor.u32 s1, s3;
	s8 =	ssub.s32 $0x2, s1;
	s1 =	smul.u32 $0x28, s1  }
0x7: {  	s9 =	sadd.s32 $0x5E200, s5;
	s11 =	sadd.s32 $0x2DE200, s5;
	s7 =	smul.u32 $0x280, s6  }
0x8: {  	_ =	strace $0x80000047;
	s3 =	sadd.s32 $0xFE00, s5;
	s6 =	smul.u32 $0x28, s6  }
0x9: {  	s30 =	sshrl.u32 s8, $0x1;
	s14 =	sadd.s32 s10, s11;
	s10 =	sadd.s32 s10, s9  }
0xa: {  	s8 =	ssub.s32 s8, s30;
	s14 =	sadd.s32 s12, s14;
	s1 =	sadd.s32 s1, s13  }
0xb: {  	s10 =	sadd.s32 s12, s10;
	s13 =	simm.s32 $0x4;
	s7 =	sadd.s32 s7, s5  }
0xc: {  	s31 =	ssub.s32 $0x4E2, s6;
	s8 =	smax.u32 s8, $0x1;
	[dreg:$0x3] =	wrdreg s14  }
0xd: {  	s1 =	sshll.u32 s1, $0xB;
	[dreg:$0x2] =	wrdreg s10;
	s14 =	simm.s32 $0x5  }
0xe: {  	s5 =	smin.u32 s31, $0x28;
	s6 =	sadd.s32 $0x5E00, s7;
	s7 =	sadd.s32 $0xAE00, s7  }
0xf: {  	s9 =	sadd.s32 s1, s9;
	s10 =	sadd.s32 s1, s11;
	s11 =	simm.s32 $0x7  }
.LBB2_1:
0x10: {  	s0 =	simm.s32 $0x0  }
0x11: {  	[tilespmem:s0], [sflag:$0x7] =	stream.linear.gather [hbm4b:s6+s0], $0x1400, $0x38;
	[tilespmem:$0x1A800] =	vst v63  }
0x12: {  	_ =	swait.ge [sflag:s11], $0x1400  }
0x13: {  	[sflag:s11] =	ssyncset.done $0x0  }
0x14: {  	s1 =	simm.s32 $0x1400;
	p2 =	sle.u32 s5, $0x0;
	[sflag:s11] =	ssyncadd.s32 $0xFFFFEC00  }
0x15: {  	[tilespmem:s1], [sflag:$0x7] =	stream.linear.gather [hbm4b:s7+s0], $0x1400, $0x38;
	[tilespmem:$0x1A800] =	vst v63  }
0x16: {  	p0 =	por @!p2 $0x1, $0x1;
	_ =	swait.ge [sflag:s11], $0x1400  }
0x17: {  	p1 =	por p0, p2;
	[sflag:s11] =	ssyncset.done $0x0  }
0x18: {  	s1 =	simm.s32 @!p1 $0x4;
	[sflag:s11] =	ssyncadd.s32 $0xFFFFEC00  }
0x19: {  	_ =	swait.ge @!p1 [sflag:s1], $0x4000  }
0x1a: {  	[sflag:s1] =	ssyncset.done @!p1 $0x0  }
0x1b: {  	[sflag:s1] =	ssyncadd.s32 @!p1 $0xFFFFC000  }
0x1c: {  	s17 =	simm.s32 @!p2 $0x80;
	p0 =	sle.u32 s5, $0x1;
	_ =	swait.ge @!p1 [sflag:s1], $0x4000  }
0x1d: {  	s18 =	simm.s32 @!p2 $0x2800;
	p3 =	por @!p0 $0x1, $0x1;
	[sflag:s1] =	ssyncset.done @!p1 $0x0  }
0x1e: {  	s19 =	simm.s32 @!p2 $0x0;
	p3 =	por p3, p0;
	[sflag:s1] =	ssyncadd.s32 @!p1 $0xFFFFC000  }
0x1f: {  	[tilespmem:s18], [sflag:$0x1] =	stream.indirect.gather @!p2 [hbm4b:s3+s17], $0x80, s19, s17, $0xb8;
	[tilespmem:$0x1A800] =	vst v63  }
0x20: {  	s20 =	simm.s32 @!p3 $0x5;
	s1 =	simm.s32 @!p2 $0xE800;
	s19 =	simm.s32 @!p2 $0x1400  }
0x21: {  	[tilespmem:s1], [sflag:$0x1] =	stream.indirect.gather @!p2 [hbm4b:s4+s17], $0x80, s19, s17, $0xb8;
	[tilespmem:$0x1A800] =	vst v63  }
0x22: {  	_ =	swait.ge @!p3 [sflag:s20], $0x4000  }
0x23: {  	[sflag:s20] =	ssyncset.done @!p3 $0x0  }
0x24: {  	[sflag:s20] =	ssyncadd.s32 @!p3 $0xFFFFC000  }
0x25: {  	p1 =	sle.u32 s5, $0x2;
	_ =	swait.ge @!p3 [sflag:s20], $0x4000  }
0x26: {  	s23 =	simm.s32 @!p0 $0x6800;
	p4 =	por @!p1 $0x1, $0x1;
	[sflag:s20] =	ssyncset.done @!p3 $0x0  }
0x27: {  	s17 =	simm.s32 @!p0 $0x80;
	s19 =	simm.s32 @!p0 $0x80;
	[sflag:s20] =	ssyncadd.s32 @!p3 $0xFFFFC000  }
0x28: {  	[tilespmem:s23], [sflag:$0x2] =	stream.indirect.gather @!p0 [hbm4b:s3+s19], $0x80, s17, s19, $0xb8;
	[tilespmem:$0x1A800] =	vst v63  }
0x29: {  	s25 =	simm.s32 @!p0 $0x12800;
	p3 =	por p4, p1;
	s17 =	simm.s32 @!p0 $0x1480  }
0x2a: {  	[tilespmem:s25], [sflag:$0x2] =	stream.indirect.gather @!p0 [hbm4b:s4+s19], $0x80, s17, s19, $0xb8;
	[tilespmem:$0x1A800] =	vst v63  }
0x2b: {  	s17 =	simm.s32 @!p3 $0x6  }
0x2c: {  	_ =	swait.ge @!p3 [sflag:s17], $0x4000  }
0x2d: {  	[sflag:s17] =	ssyncset.done @!p3 $0x0  }
0x2e: {  	[sflag:s17] =	ssyncadd.s32 @!p3 $0xFFFFC000  }
0x2f: {  	_ =	swait.ge @!p3 [sflag:s17], $0x4000  }
0x30: {  	s21 =	simm.s32 @!p1 $0xA800;
	[sflag:s17] =	ssyncset.done @!p3 $0x0  }
0x31: {  	s19 =	simm.s32 @!p1 $0x100;
	[sflag:s17] =	ssyncadd.s32 @!p3 $0xFFFFC000;
	s17 =	simm.s32 @!p1 $0x80  }
0x32: {  	[tilespmem:s21], [sflag:$0x3] =	stream.indirect.gather @!p1 [hbm4b:s3+s17], $0x80, s19, s17, $0xb8;
	[tilespmem:$0x1A800] =	vst v63  }
0x33: {  	s22 =	simm.s32 @!p1 $0x16800;
	s20 =	simm.s32 @!p2 $0x1;
	s19 =	simm.s32 @!p1 $0x1500  }
0x34: {  	[tilespmem:s22], [sflag:$0x3] =	stream.indirect.gather @!p1 [hbm4b:s4+s17], $0x80, s19, s17, $0xb8;
	[tilespmem:$0x1A800] =	vst v63  }
0x35: {  	_ =	swait.ge @!p2 [sflag:s20], $0x4000  }
0x36: {  	[sflag:s20] =	ssyncset.done @!p2 $0x0  }
0x37: {  	[sflag:s20] =	ssyncadd.s32 @!p2 $0xFFFFC000  }
0x38: {  	_ =	swait.ge @!p2 [sflag:s20], $0x4000  }
0x39: {  	s24 =	simm.s32 @!p2 $0x0;
	s17 =	rddreg [dreg:$0x2];
	[sflag:s20] =	ssyncset.done @!p2 $0x0  }
0x3a: {  	s19 =	rddreg [dreg:$0x3];
	[sflag:s20] =	ssyncadd.s32 @!p2 $0xFFFFC000;
	s17 =	sadd.s32 @!p2 $0x0, s17  }
0x3b: {  	[hbm4b:s17+s24] =	stream.linear.scatter @!p2 [tilespmem:s18], [sflag:$0x4], $0x4000, $0x38;
	[tilespmem:$0x1A800] =	vst v63  }
0x3c: {  	s17 =	sadd.s32 @!p2 $0x0, s19;
	s19 =	simm.s32 @!p0 $0x2  }
0x3d: {  	[hbm4b:s17+s24] =	stream.linear.scatter @!p2 [tilespmem:s1], [sflag:$0x4], $0x4000, $0x38;
	[tilespmem:$0x1A800] =	vst v63  }
0x3e: {  	_ =	swait.ge @!p0 [sflag:s19], $0x4000  }
0x3f: {  	s28 =	simm.s32 @!p0 $0x0;
	[sflag:s19] =	ssyncset.done @!p0 $0x0  }
0x40: {  	s26 =	sadd.s32 @!p1 $0x0, s10;
	s20 =	simm.s32 $0xC00;
	[sflag:s19] =	ssyncadd.s32 @!p0 $0xFFFFC000  }
0x41: {  	s18 =	simm.s32 $0x600;
	s1 =	sadd.s32 @!p0 $0x0, s9;
	_ =	swait.ge @!p0 [sflag:s19], $0x4000  }
0x42: {  	s17 =	sadd.s32 @!p0 $0x0, s10;
	s24 =	sadd.s32 @!p1 $0x0, s9;
	[sflag:s19] =	ssyncset.done @!p0 $0x0  }
0x43: {  	s1 =	sadd.s32 @!p0 $0x800, s1;
	s17 =	sadd.s32 @!p0 $0x800, s17;
	[sflag:s19] =	ssyncadd.s32 @!p0 $0xFFFFC000  }
0x44: {  	[hbm4b:s1+s28] =	stream.linear.scatter @!p0 [tilespmem:s23], [sflag:$0x5], $0x4000, $0x38;
	[tilespmem:$0x1A800] =	vst v63  }
0x45: {  	s24 =	sadd.s32 @!p1 $0x1000, s24;
	s19 =	simm.s32 $0x5;
	s1 =	simm.s32 @!p1 $0x3  }
0x46: {  	[hbm4b:s17+s28] =	stream.linear.scatter @!p0 [tilespmem:s25], [sflag:$0x5], $0x4000, $0x38;
	[tilespmem:$0x1A800] =	vst v63  }
0x47: {  	s23 =	sadd.s32 @!p1 $0x1000, s26;
	p0 =	sle.u32 s5, $0x3;
	_ =	swait.ge @!p1 [sflag:s1], $0x4000  }
0x48: {  	s17 =	simm.s32 $0x1800;
	p3 =	por @!p0 $0x0, $0x0;
	[sflag:s1] =	ssyncset.done @!p1 $0x0  }
.LBB2_2:
0x49: {  	[sflag:s1] =	ssyncadd.s32 @!p1 $0xFFFFC000  }
0x4a: {  	_ =	swait.ge @!p1 [sflag:s1], $0x4000  }
0x4b: {  	[sflag:s1] =	ssyncset.done @!p1 $0x0  }
0x4c: {  	p4 =	por p3, p0;
	[sflag:s1] =	ssyncadd.s32 @!p1 $0xFFFFC000;
	s1 =	simm.s32 @!p1 $0x0  }
0x4d: {  	[hbm4b:s24+s1] =	stream.linear.scatter @!p1 [tilespmem:s21], [sflag:$0x6], $0x4000, $0x38;
	[tilespmem:$0x1A800] =	vst v63  }
0x4e: {  	s21 =	simm.s32 @!p4 $0x4  }
0x4f: {  	[hbm4b:s23+s1] =	stream.linear.scatter @!p1 [tilespmem:s22], [sflag:$0x6], $0x4000, $0x38;
	[tilespmem:$0x1A800] =	vst v63  }
0x50: {  	_ =	swait.ge @!p4 [sflag:s21], $0x4000  }
0x51: {  	[sflag:s21] =	ssyncset.done @!p4 $0x0  }
0x52: {  	s30 =	sadd.s32 $0xFFFFFFFF, s19;
	[sflag:s21] =	ssyncadd.s32 @!p4 $0xFFFFC000  }
0x53: {  	s26 =	simm.s32 @!p0 $0x2800;
	p3 =	sge.u32 s30, s5;
	_ =	swait.ge @!p4 [sflag:s21], $0x4000  }
0x54: {  	s1 =	simm.s32 @!p0 $0x80;
	p1 =	seq.s32 @!p3 s18, $0x0;
	[sflag:s21] =	ssyncset.done @!p4 $0x0  }
0x55: {  	s23 =	sshra.s32 @!p0 s18, $0x2;
	p5 =	por p1, p3;
	[sflag:s21] =	ssyncadd.s32 @!p4 $0xFFFFC000  }
0x56: {  	[tilespmem:s26], [sflag:$0x1] =	stream.indirect.gather @!p0 [hbm4b:s3+s1], $0x80, s23, s1, $0xb8;
	[tilespmem:$0x1A800] =	vst v63  }
0x57: {  	s25 =	simm.s32 @!p0 $0xE800;
	s22 =	sadd.s32 @!p0 $0x1400, s23;
	s23 =	simm.s32 @!p5 $0x5  }
0x58: {  	[tilespmem:s25], [sflag:$0x1] =	stream.indirect.gather @!p0 [hbm4b:s4+s1], $0x80, s22, s1, $0xb8;
	[tilespmem:$0x1A800] =	vst v63  }
0x59: {  	s28 =	sadd.s32 @!p3 s17, s9;
	_ =	swait.ge @!p5 [sflag:s23], $0x4000  }
0x5a: {  	s30 =	sadd.s32 @!p3 s17, s10;
	s29 =	sadd.s32 @!p3 $0x800, s28;
	[sflag:s23] =	ssyncset.done @!p5 $0x0  }
0x5b: {  	s28 =	sadd.s32 @!p3 $0x800, s30;
	p1 =	sge.u32 s19, s5;
	[sflag:s23] =	ssyncadd.s32 @!p5 $0xFFFFC000  }
0x5c: {  	s24 =	sshra.s32 @!p3 s18, $0x2;
	p4 =	seq.s32 @!p1 s18, $0x0;
	_ =	swait.ge @!p5 [sflag:s23], $0x4000  }
0x5d: {  	s21 =	sadd.s32 @!p3 $0x80, s24;
	p4 =	por p4, p1;
	[sflag:s23] =	ssyncset.done @!p5 $0x0  }
0x5e: {  	s22 =	simm.s32 @!p3 $0x80;
	s1 =	simm.s32 @!p3 $0x6800;
	[sflag:s23] =	ssyncadd.s32 @!p5 $0xFFFFC000  }
0x5f: {  	[tilespmem:s1], [sflag:$0x2] =	stream.indirect.gather @!p3 [hbm4b:s3+s22], $0x80, s21, s22, $0xb8;
	[tilespmem:$0x1A800] =	vst v63  }
0x60: {  	s30 =	simm.s32 @!p3 $0x12800;
	s24 =	sadd.s32 @!p3 $0x1480, s24;
	s21 =	simm.s32 @!p4 $0x6  }
0x61: {  	[tilespmem:s30], [sflag:$0x2] =	stream.indirect.gather @!p3 [hbm4b:s4+s22], $0x80, s24, s22, $0xb8;
	[tilespmem:$0x1A800] =	vst v63  }
0x62: {  	s18 =	sshra.s32 @!p1 s18, $0x2;
	_ =	swait.ge @!p4 [sflag:s21], $0x4000  }
0x63: {  	s31 =	smov.u32 s20;
	s0 =	sadd.s32 @!p1 $0x100, s18;
	[sflag:s21] =	ssyncset.done @!p4 $0x0  }
0x64: {  	s12 =	sadd.s32 @!p1 $0x1500, s18;
	s23 =	sadd.s32 @!p1 s17, s9;
	[sflag:s21] =	ssyncadd.s32 @!p4 $0xFFFFC000  }
0x65: {  	s18 =	sadd.s32 @!p1 s17, s10;
	s24 =	sadd.s32 @!p1 $0x1000, s23;
	_ =	swait.ge @!p4 [sflag:s21], $0x4000  }
0x66: {  	s23 =	sadd.s32 @!p1 $0x1000, s18;
	s18 =	smov.u32 s31;
	[sflag:s21] =	ssyncset.done @!p4 $0x0  }
0x67: {  	s31 =	simm.s32 @!p1 $0x80;
	[sflag:s21] =	ssyncadd.s32 @!p4 $0xFFFFC000;
	s21 =	simm.s32 @!p1 $0xA800  }
0x68: {  	[tilespmem:s21], [sflag:$0x3] =	stream.indirect.gather @!p1 [hbm4b:s3+s31], $0x80, s0, s31, $0xb8;
	[tilespmem:$0x1A800] =	vst v63  }
0x69: {  	s22 =	simm.s32 @!p1 $0x16800;
	s0 =	simm.s32 @!p0 $0x1  }
0x6a: {  	[tilespmem:s22], [sflag:$0x3] =	stream.indirect.gather @!p1 [hbm4b:s4+s31], $0x80, s12, s31, $0xb8;
	[tilespmem:$0x1A800] =	vst v63  }
0x6b: {  	_ =	swait.ge @!p0 [sflag:s0], $0x4000  }
0x6c: {  	[sflag:s0] =	ssyncset.done @!p0 $0x0  }
0x6d: {  	[sflag:s0] =	ssyncadd.s32 @!p0 $0xFFFFC000  }
0x6e: {  	_ =	swait.ge @!p0 [sflag:s0], $0x4000  }
0x6f: {  	s12 =	simm.s32 @!p0 $0x0;
	s31 =	rddreg [dreg:$0x2];
	[sflag:s0] =	ssyncset.done @!p0 $0x0  }
0x70: {  	s2 =	rddreg [dreg:$0x3];
	[sflag:s0] =	ssyncadd.s32 @!p0 $0xFFFFC000;
	s0 =	sadd.s32 @!p0 s17, s31  }
0x71: {  	[hbm4b:s0+s12] =	stream.linear.scatter @!p0 [tilespmem:s26], [sflag:$0x4], $0x4000, $0x38;
	[tilespmem:$0x1A800] =	vst v63  }
0x72: {  	s0 =	sadd.s32 @!p0 s17, s2;
	s2 =	simm.s32 @!p3 $0x2  }
0x73: {  	[hbm4b:s0+s12] =	stream.linear.scatter @!p0 [tilespmem:s25], [sflag:$0x4], $0x4000, $0x38;
	[tilespmem:$0x1A800] =	vst v63  }
0x74: {  	_ =	swait.ge @!p3 [sflag:s2], $0x4000  }
0x75: {  	[sflag:s2] =	ssyncset.done @!p3 $0x0  }
0x76: {  	[sflag:s2] =	ssyncadd.s32 @!p3 $0xFFFFC000  }
0x77: {  	_ =	swait.ge @!p3 [sflag:s2], $0x4000  }
0x78: {  	s20 =	sadd.s32 $0x600, s20;
	[sflag:s2] =	ssyncset.done @!p3 $0x0  }
0x79: {  	p2 =	sne.s32 s20, $0x5400;
	s0 =	simm.s32 @!p3 $0x0;
	[sflag:s2] =	ssyncadd.s32 @!p3 $0xFFFFC000  }
0x7a: {  	[hbm4b:s29+s0] =	stream.linear.scatter @!p3 [tilespmem:s1], [sflag:$0x5], $0x4000, $0x38;
	[tilespmem:$0x1A800] =	vst v63  }
.Ltmp0:
0x7b: {  	s19 =	sadd.s32 $0x3, s19;
	(pc) =	sbr.rel @p2 .LBB2_2-.Ltmp0, $4  }
0x7c: {  	s31 =	sadd.s32 $0xFFFFFFFE, s19;
	s1 =	simm.s32 @!p1 $0x3  }
0x7d: {  	[hbm4b:s28+s0] =	stream.linear.scatter @!p3 [tilespmem:s30], [sflag:$0x5], $0x4000, $0x38;
	[tilespmem:$0x1A800] =	vst v63  }
0x7e: {  	p0 =	sge.u32 s31, s5;
	_ =	swait.ge @!p1 [sflag:s1], $0x4000  }
0x7f: {  	s17 =	sadd.s32 $0x1800, s17;
	p3 =	seq.s32 @!p0 s18, $0x0;
	[sflag:s1] =	ssyncset.done @!p1 $0x0  }
0x80: {  	[sflag:s1] =	ssyncadd.s32 @!p1 $0xFFFFC000  }
0x81: {  	_ =	swait.ge @!p1 [sflag:s1], $0x4000  }
0x82: {  	[sflag:s1] =	ssyncset.done @!p1 $0x0  }
0x83: {  	p2 =	por p3, p0;
	s0 =	simm.s32 @!p1 $0x0;
	[sflag:s1] =	ssyncadd.s32 @!p1 $0xFFFFC000  }
0x84: {  	[hbm4b:s24+s0] =	stream.linear.scatter @!p1 [tilespmem:s21], [sflag:$0x6], $0x4000, $0x38;
	[tilespmem:$0x1A800] =	vst v63  }
0x85: {  	s1 =	simm.s32 @!p2 $0x4  }
0x86: {  	[hbm4b:s23+s0] =	stream.linear.scatter @!p1 [tilespmem:s22], [sflag:$0x6], $0x4000, $0x38;
	[tilespmem:$0x1A800] =	vst v63  }
0x87: {  	_ =	swait.ge @!p2 [sflag:s1], $0x4000  }
0x88: {  	[sflag:s1] =	ssyncset.done @!p2 $0x0  }
0x89: {  	s31 =	sadd.s32 $0xFFFFFFFF, s19;
	[sflag:s1] =	ssyncadd.s32 @!p2 $0xFFFFC000  }
0x8a: {  	s2 =	simm.s32 @!p0 $0x80;
	p1 =	sge.u32 s31, s5;
	_ =	swait.ge @!p2 [sflag:s1], $0x4000  }
0x8b: {  	s12 =	sshra.s32 @!p0 s18, $0x2;
	p3 =	seq.s32 @!p1 s18, $0x0;
	[sflag:s1] =	ssyncset.done @!p2 $0x0  }
0x8c: {  	s0 =	simm.s32 @!p0 $0x2800;
	p3 =	por p3, p1;
	[sflag:s1] =	ssyncadd.s32 @!p2 $0xFFFFC000  }
0x8d: {  	[tilespmem:s0], [sflag:$0x1] =	stream.indirect.gather @!p0 [hbm4b:s3+s2], $0x80, s12, s2, $0xb8;
	[tilespmem:$0x1A800] =	vst v63  }
0x8e: {  	s20 =	simm.s32 @!p3 $0x5;
	s1 =	simm.s32 @!p0 $0xE800;
	s12 =	sadd.s32 @!p0 $0x1400, s12  }
0x8f: {  	[tilespmem:s1], [sflag:$0x1] =	stream.indirect.gather @!p0 [hbm4b:s4+s2], $0x80, s12, s2, $0xb8;
	[tilespmem:$0x1A800] =	vst v63  }
0x90: {  	_ =	swait.ge @!p3 [sflag:s20], $0x4000  }
0x91: {  	[sflag:s20] =	ssyncset.done @!p3 $0x0  }
0x92: {  	[sflag:s20] =	ssyncadd.s32 @!p3 $0xFFFFC000  }
0x93: {  	s21 =	simm.s32 @!p1 $0x6800;
	p2 =	sge.u32 s19, s5;
	_ =	swait.ge @!p3 [sflag:s20], $0x4000  }
0x94: {  	s19 =	simm.s32 @!p1 $0x80;
	s2 =	sshra.s32 @!p1 s18, $0x2;
	[sflag:s20] =	ssyncset.done @!p3 $0x0  }
0x95: {  	p4 =	seq.s32 @!p2 s18, $0x0;
	s12 =	sadd.s32 @!p1 $0x80, s2;
	[sflag:s20] =	ssyncadd.s32 @!p3 $0xFFFFC000  }
0x96: {  	[tilespmem:s21], [sflag:$0x2] =	stream.indirect.gather @!p1 [hbm4b:s3+s19], $0x80, s12, s19, $0xb8;
	[tilespmem:$0x1A800] =	vst v63  }
0x97: {  	s2 =	sadd.s32 @!p1 $0x1480, s2;
	p3 =	por p4, p2;
	s12 =	simm.s32 @!p1 $0x12800  }
0x98: {  	[tilespmem:s12], [sflag:$0x2] =	stream.indirect.gather @!p1 [hbm4b:s4+s19], $0x80, s2, s19, $0xb8;
	[tilespmem:$0x1A800] =	vst v63  }
0x99: {  	s2 =	simm.s32 @!p3 $0x6  }
0x9a: {  	_ =	swait.ge @!p3 [sflag:s2], $0x4000  }
0x9b: {  	[sflag:s2] =	ssyncset.done @!p3 $0x0  }
0x9c: {  	[sflag:s2] =	ssyncadd.s32 @!p3 $0xFFFFC000  }
0x9d: {  	_ =	swait.ge @!p3 [sflag:s2], $0x4000  }
0x9e: {  	s18 =	sshra.s32 @!p2 s18, $0x2;
	s20 =	simm.s32 @!p2 $0xA800;
	[sflag:s2] =	ssyncset.done @!p3 $0x0  }
0x9f: {  	s19 =	sadd.s32 @!p2 $0x100, s18;
	[sflag:s2] =	ssyncadd.s32 @!p3 $0xFFFFC000;
	s2 =	simm.s32 @!p2 $0x80  }
0xa0: {  	[tilespmem:s20], [sflag:$0x3] =	stream.indirect.gather @!p2 [hbm4b:s3+s2], $0x80, s19, s2, $0xb8;
	[tilespmem:$0x1A800] =	vst v63  }
0xa1: {  	s22 =	simm.s32 @!p0 $0x1;
	s18 =	sadd.s32 @!p2 $0x1500, s18;
	s19 =	simm.s32 @!p2 $0x16800  }
0xa2: {  	[tilespmem:s19], [sflag:$0x3] =	stream.indirect.gather @!p2 [hbm4b:s4+s2], $0x80, s18, s2, $0xb8;
	[tilespmem:$0x1A800] =	vst v63  }
0xa3: {  	_ =	swait.ge @!p0 [sflag:s22], $0x4000  }
0xa4: {  	[sflag:s22] =	ssyncset.done @!p0 $0x0  }
0xa5: {  	[sflag:s22] =	ssyncadd.s32 @!p0 $0xFFFFC000  }
0xa6: {  	_ =	swait.ge @!p0 [sflag:s22], $0x4000  }
0xa7: {  	s23 =	simm.s32 @!p0 $0x0;
	s2 =	rddreg [dreg:$0x2];
	[sflag:s22] =	ssyncset.done @!p0 $0x0  }
0xa8: {  	s18 =	rddreg [dreg:$0x3];
	[sflag:s22] =	ssyncadd.s32 @!p0 $0xFFFFC000;
	s2 =	sadd.s32 @!p0 s17, s2  }
0xa9: {  	[hbm4b:s2+s23] =	stream.linear.scatter @!p0 [tilespmem:s0], [sflag:$0x4], $0x4000, $0x38;
	[tilespmem:$0x1A800] =	vst v63  }
0xaa: {  	s0 =	sadd.s32 @!p0 s17, s18;
	s2 =	simm.s32 @!p1 $0x2  }
0xab: {  	[hbm4b:s0+s23] =	stream.linear.scatter @!p0 [tilespmem:s1], [sflag:$0x4], $0x4000, $0x38;
	[tilespmem:$0x1A800] =	vst v63  }
0xac: {  	_ =	swait.ge @!p1 [sflag:s2], $0x4000  }
0xad: {  	[sflag:s2] =	ssyncset.done @!p1 $0x0  }
0xae: {  	[sflag:s2] =	ssyncadd.s32 @!p1 $0xFFFFC000  }
0xaf: {  	_ =	swait.ge @!p1 [sflag:s2], $0x4000  }
0xb0: {  	s18 =	simm.s32 @!p1 $0x0;
	s0 =	sadd.s32 @!p1 s17, s9;
	[sflag:s2] =	ssyncset.done @!p1 $0x0  }
0xb1: {  	s1 =	sadd.s32 @!p1 s17, s10;
	s0 =	sadd.s32 @!p1 $0x800, s0;
	[sflag:s2] =	ssyncadd.s32 @!p1 $0xFFFFC000  }
0xb2: {  	[hbm4b:s0+s18] =	stream.linear.scatter @!p1 [tilespmem:s21], [sflag:$0x5], $0x4000, $0x38;
	[tilespmem:$0x1A800] =	vst v63  }
0xb3: {  	s0 =	sadd.s32 @!p1 $0x800, s1;
	s1 =	simm.s32 @!p2 $0x3  }
0xb4: {  	[hbm4b:s0+s18] =	stream.linear.scatter @!p1 [tilespmem:s12], [sflag:$0x5], $0x4000, $0x38;
	[tilespmem:$0x1A800] =	vst v63  }
0xb5: {  	_ =	swait.ge @!p2 [sflag:s1], $0x4000  }
0xb6: {  	[sflag:s1] =	ssyncset.done @!p2 $0x0  }
0xb7: {  	[sflag:s1] =	ssyncadd.s32 @!p2 $0xFFFFC000  }
0xb8: {  	_ =	swait.ge @!p2 [sflag:s1], $0x4000  }
0xb9: {  	s2 =	sadd.s32 @!p2 s17, s10;
	s0 =	sadd.s32 @!p2 s17, s9;
	[sflag:s1] =	ssyncset.done @!p2 $0x0  }
0xba: {  	s0 =	sadd.s32 @!p2 $0x1000, s0;
	[sflag:s1] =	ssyncadd.s32 @!p2 $0xFFFFC000;
	s1 =	simm.s32 @!p2 $0x0  }
0xbb: {  	[hbm4b:s0+s1] =	stream.linear.scatter @!p2 [tilespmem:s20], [sflag:$0x6], $0x4000, $0x38;
	[tilespmem:$0x1A800] =	vst v63  }
0xbc: {  	s0 =	sadd.s32 @!p2 $0x1000, s2  }
0xbd: {  	[hbm4b:s0+s1] =	stream.linear.scatter @!p2 [tilespmem:s19], [sflag:$0x6], $0x4000, $0x38;
	[tilespmem:$0x1A800] =	vst v63  }
0xbe: {  	_ =	swait.ge [sflag:s13], $0x4000  }
0xbf: {  	[sflag:s13] =	ssyncset.done $0x0  }
0xc0: {  	[sflag:s13] =	ssyncadd.s32 $0xFFFFC000  }
0xc1: {  	_ =	swait.ge [sflag:s13], $0x4000  }
0xc2: {  	[sflag:s13] =	ssyncset.done $0x0  }
0xc3: {  	[sflag:s13] =	ssyncadd.s32 $0xFFFFC000  }
0xc4: {  	_ =	swait.ge [sflag:s14], $0x4000  }
0xc5: {  	[sflag:s14] =	ssyncset.done $0x0  }
0xc6: {  	[sflag:s14] =	ssyncadd.s32 $0xFFFFC000  }
0xc7: {  	_ =	swait.ge [sflag:s14], $0x4000  }
0xc8: {  	[sflag:s14] =	ssyncset.done $0x0  }
0xc9: {  	s16 =	sadd.s32 $0x1, s16;
	[sflag:s14] =	ssyncadd.s32 $0xFFFFC000  }
0xca: {  	p0 =	sne.s32 s16, s8;
	_ =	swait.ge [sflag:s15], $0x4000  }
.Ltmp1:
0xcb: {  	[sflag:s15] =	ssyncset.done $0x0;
	(pc) =	sbr.rel @p0 .LBB2_1-.Ltmp1, $4  }
0xcc: {  	[sflag:s15] =	ssyncadd.s32 $0xFFFFC000  }
0xcd: {  	_ =	swait.ge [sflag:s15], $0x4000  }
0xce: {  	[sflag:s15] =	ssyncset.done $0x0  }
0xcf: {  	[sflag:s15] =	ssyncadd.s32 $0xFFFFC000  }
0xd0: {  	_ =	sfence.sel $0x180000  }
0xd1: {  	[bflag:$0x0] =	sbarrier.arrive $0xFFFF  }
0xd2: {  	_ =	strace $0x90000047  }
0xd3: {  	s0 =	stileid.u32;
	[bflag:$0x2] =	sbarrier.arrive $0xFFFF  }
0xd4: {  	p0 =	sne.s32 s0, $0x0;
	s0 =	rddreg [dreg:$0x1]  }
0xd5: {  	s0 =	sadd.s32 @!p0 $0x100000, s0  }
0xd6: {  	[sflag:s0] =	ssyncadd.tile.s32 @!p0 $0x1;
	_ =	shalt  }
.Lfunc_end2:
_tile_overlayer_lowered:
.L_overlay_start_2:
0xd7: {  	(tag) =	ssettag $0x2  }
0xd8: {  	s0 =	rddreg [dreg:$0x0];
	s2 =	stileid.u32  }
0xd9: {  	s1 =	rddreg [dreg:$0x1];
	p0 =	sne.s32 s2, $0x0  }
0xda: {  	s3 =	rddreg [dreg:$0x2];
	[bflag:$0x3] =	sbarrier.arrive $0xFFFF;
	s2 =	simm.s32 @!p0 $0x1C07  }
0xdb: {  	[timem:s3], [sflag:s2] =	dma.local @!p0 [hbm:s0], s1  }
0xdc: {  	s0 =	simm.s32 @!p0 $0x7  }
0xdd: {  	_ =	swait.ge @!p0 [sflag:s0], s1  }
0xde: {  	s1 =	ssub.s32 @!p0 $0x0, s1;
	[sflag:s0] =	ssyncset.done @!p0 $0x0  }
0xdf: {  	[sflag:s0] =	ssyncadd.s32 @!p0 s1  }
0xe0: {  	[bflag:$0x3] =	sbarrier.arrive $0xFFFF  }
0xe1: {  	_ =	shalt  }

</sc_bundles>
